<compile_context>
chip_gen: v7x
topology: tpu7x:2x2x1
jax: 0.10.2.dev20260603
libtpu: 0.0.44.dev20260713+nightly
codegen_flags: <defaults>
</compile_context>

<pallas_src>
import functools

import jax
import jax.numpy as jnp
from jax import lax
from jax.experimental import pallas as pl
from jax.experimental.pallas import tpu as pltpu
from jax.experimental.pallas import tpu_sc as plsc

NUM_WORKERS = 32
LANES_PER_W = 512
SGROUP = 8
NQ = LANES_PER_W // 128


def _emb_lookup_t(loc_t, tab_flat, s_dim, c_dim, b_dim):
    ct, ci = c_dim // 8, 8
    bt, bi = b_dim // 128, 128
    n_groups = s_dim // SGROUP
    mesh = plsc.VectorSubcoreMesh(core_axis_name="c", subcore_axis_name="s")

    @functools.partial(
        pl.kernel,
        mesh=mesh,
        out_type=jax.ShapeDtypeStruct((s_dim, ct, bt, ci, bi), jnp.float32),
        scratch_types=[
            pltpu.VMEM(tab_flat.shape, jnp.float32),
            [pltpu.VMEM((SGROUP, LANES_PER_W), jnp.int32) for _ in range(2)],
            [pltpu.VMEM((ct, 1, ci, bi), jnp.float32) for _ in range(2)],
            pltpu.SemaphoreType.DMA,
            [pltpu.SemaphoreType.DMA for _ in range(2)],
            [pltpu.SemaphoreType.DMA for _ in range(2)],
        ],
        compiler_params=pltpu.CompilerParams(needs_layout_passes=False),
    )
    def k(tab_hbm, loc_hbm, out_hbm, tab_v, idx_v, buf, sem_t, sem_i, sem_s):
        w = lax.axis_index("s") * 2 + lax.axis_index("c")
        b0 = w * LANES_PER_W
        pltpu.async_copy(tab_hbm, tab_v, sem_t)
        pltpu.async_copy(loc_hbm.at[pl.ds(0, SGROUP), pl.ds(b0, LANES_PER_W)],
                         idx_v[0], sem_i[0])
        pltpu.make_async_copy(tab_hbm, tab_v, sem_t).wait()

        def do_group(g, p):
            pltpu.make_async_copy(
                loc_hbm.at[pl.ds(0, SGROUP), pl.ds(b0, LANES_PER_W)],
                idx_v[p], sem_i[p]).wait()

            @pl.when(g < n_groups - 1)
            def _prefetch():
                pltpu.async_copy(
                    loc_hbm.at[pl.ds((g + 1) * SGROUP, SGROUP),
                               pl.ds(b0, LANES_PER_W)],
                    idx_v[1 - p], sem_i[1 - p])

            def ss_body(ss, carry):
                s = g * SGROUP + ss

                def q2_body(q2, carry2):
                    for qq in range(2):
                        q = 2 * q2 + qq

                        @pl.when((g > 0) | (ss > 0) | (q2 > 0))
                        def _drain():
                            pltpu.make_async_copy(
                                buf[qq],
                                out_hbm.at[0, :, pl.ds(0, 1), :, :],
                                sem_s[qq]).wait()

                        def j_body(j, carry3):
                            idx16 = idx_v[p][ss, pl.ds(q * 128 + 16 * j, 16)]
                            base16 = idx16 * (c_dim + 1)

                            @plsc.parallel_loop(0, c_dim, unroll=16)
                            def c_body(c):
                                vals = plsc.load_gather(tab_v, [base16 + c])
                                buf[qq][c // 8, 0, c % 8,
                                        pl.ds(16 * j, 16)] = vals
                            return carry3

                        lax.fori_loop(0, bi // 16, j_body, 0)
                        pltpu.async_copy(
                            buf[qq],
                            out_hbm.at[s, :, pl.ds(NQ * w + q, 1), :, :],
                            sem_s[qq])
                    return carry2

                lax.fori_loop(0, NQ // 2, q2_body, 0)
                return carry

            lax.fori_loop(0, SGROUP, ss_body, 0)

        def pair_body(g2, carry):
            do_group(2 * g2, 0)
            do_group(2 * g2 + 1, 1)
            return carry

        lax.fori_loop(0, n_groups // 2, pair_body, 0)
        if n_groups % 2:
            do_group(jnp.int32(n_groups - 1), 0)

        for qb in range(2):
            pltpu.make_async_copy(buf[qb], out_hbm.at[0, :, pl.ds(0, 1), :, :],
                                  sem_s[qb]).wait()

    return k(tab_flat, loc_t)


def kernel(location, table):
    b_dim, s_dim = location.shape
    v, c_dim = table.shape
    loc_t = location.T.astype(jnp.int32)
    tab_flat = jnp.pad(table, ((0, -v % 8), (0, 1))).reshape(-1)
    out5 = _emb_lookup_t(loc_t, tab_flat, s_dim, c_dim, b_dim)
    return out5.transpose(2, 4, 0, 1, 3).reshape(b_dim, s_dim, c_dim)

# --- scband reference (transcript-rebuilt; emitter-appended) ---
"""Pipeline reference for scband-location-yembedding-model-463856468055 (READ-ONLY COPY).

The authoritative reference and input builder live on the scoring server;
editing this copy changes nothing except your own understanding.
"""

import jax, jax.numpy as jnp
import numpy as np

NUM_EMBEDDINGS = 202
EMBED_SIZE = 64

def setup_inputs(seed: int = 0) -> dict:
    key = jax.random.key(seed)
    k_idx, k_tab = jax.random.split(key)
    location = jax.random.randint(k_idx, (16384, 200), 0, NUM_EMBEDDINGS, dtype=jnp.int64 if jax.config.jax_enable_x64 else jnp.int32)
    table = jax.random.normal(k_tab, (NUM_EMBEDDINGS, EMBED_SIZE), dtype=jnp.float32)
    return {"location": location, "table": table}

def reference(location, table):
    # nn.Embedding forward: gather rows of the table by index
    return jnp.take(table, location, axis=0)

if __name__ == "__main__":
    import jax
    _d = setup_inputs()
    print(jax.jit(kernel)(*tuple(_d.values())))

</pallas_src>

<mosaic_0001>
#map = affine_map<(d0, d1) -> (0)>
#map1 = affine_map<(d0, d1) -> (0, 0)>
#map2 = affine_map<(d0, d1) -> (0, 0, 0, 0, 0)>
module attributes {stable_mosaic.version = 14 : i64} {
  func.func @k(%arg0: i32, %arg1: i32, %arg2: memref<13520xf32, #tpu.memory_space<hbm>>, %arg3: memref<200x16384xi32, #tpu.memory_space<hbm>>, %arg4: memref<200x8x128x8x128xf32, #tpu.memory_space<hbm>>, %arg5: memref<13520xf32, #tpu.memory_space<vmem>>, %arg6: memref<8x512xi32, #tpu.memory_space<vmem>>, %arg7: memref<8x512xi32, #tpu.memory_space<vmem>>, %arg8: memref<8x1x8x128xf32, #tpu.memory_space<vmem>>, %arg9: memref<8x1x8x128xf32, #tpu.memory_space<vmem>>, %arg10: memref<!tpu.dma_semaphore, #tpu.memory_space<semaphore_mem>>, %arg11: memref<!tpu.dma_semaphore, #tpu.memory_space<semaphore_mem>>, %arg12: memref<!tpu.dma_semaphore, #tpu.memory_space<semaphore_mem>>, %arg13: memref<!tpu.dma_semaphore, #tpu.memory_space<semaphore_mem>>, %arg14: memref<!tpu.dma_semaphore, #tpu.memory_space<semaphore_mem>>) attributes {dimension_semantics = [#tpu.dimension_semantics<core_parallel>, #tpu.dimension_semantics<subcore_parallel>], iteration_bounds = array<i64: 2, 16>, scalar_prefetch = 0 : i64, scratch_operands = 10 : i64, tpu.core_type = #tpu.core_type<sc_vector_subcore>, window_params = [{transform_indices = #map}, {transform_indices = #map1}, {transform_indices = #map2}]} {
    %mul3A = arith.constant 2 : i32
    %mul3A_0 = arith.muli %arg1, %mul3A : i32
    %add3A = arith.addi %mul3A_0, %arg0 : i32
    %mul3A_1 = arith.constant 512 : i32
    %mul3A_2 = arith.muli %add3A, %mul3A_1 : i32
    tpu.enqueue_dma source(%arg2 : memref<13520xf32, #tpu.memory_space<hbm>>) target(%arg5 : memref<13520xf32, #tpu.memory_space<vmem>>) target_semaphore(%arg10 : memref<!tpu.dma_semaphore, #tpu.memory_space<semaphore_mem>>)
    %dma_start3A = arith.constant 0 : i32
    %dma_start3A_3 = tpu.memref_slice %arg3[%dma_start3A, %mul3A_2] : memref<200x16384xi32, #tpu.memory_space<hbm>> -> memref<8x512xi32, #tpu.memory_space<hbm>>
    %dma_start3A_4 = arith.constant 0 : i32
    %dma_start3A_5 = tpu.memref_slice %arg3[%dma_start3A_4, %mul3A_2] : memref<200x16384xi32, #tpu.memory_space<hbm>> -> memref<8x512xi32, #tpu.memory_space<hbm>>
    tpu.enqueue_dma source(%dma_start3A_5 : memref<8x512xi32, #tpu.memory_space<hbm>>) target(%arg6 : memref<8x512xi32, #tpu.memory_space<vmem>>) target_semaphore(%arg11 : memref<!tpu.dma_semaphore, #tpu.memory_space<semaphore_mem>>)
    tpu.wait_dma2 semaphore(%arg10 : memref<!tpu.dma_semaphore, #tpu.memory_space<semaphore_mem>>) src(%arg2 : memref<13520xf32, #tpu.memory_space<hbm>>) dst(%arg5 : memref<13520xf32, #tpu.memory_space<vmem>>)
    %scan3A = arith.constant 0 : i32
    %scan3A_6 = arith.constant 0 : i32
    %scan3A_7 = arith.constant 12 : i32
    %scan3A_8 = arith.addi %scan3A_6, %scan3A_7 : i32
    %scan3A_9 = arith.constant 1 : i32
    scf.for %scan3A_51 = %scan3A_6 to %scan3A_8 step %scan3A_9  : i32 {
      %mul3A_52 = arith.constant 2 : i32
      %mul3A_53 = arith.muli %mul3A_52, %scan3A_51 : i32
      %dma_wait3A_54 = arith.constant 0 : i32
      %dma_wait3A_55 = tpu.memref_slice %arg3[%dma_wait3A_54, %mul3A_2] : memref<200x16384xi32, #tpu.memory_space<hbm>> -> memref<8x512xi32, #tpu.memory_space<hbm>>
      %dma_wait3A_56 = arith.constant 0 : i32
      %dma_wait3A_57 = tpu.memref_slice %arg3[%dma_wait3A_56, %mul3A_2] : memref<200x16384xi32, #tpu.memory_space<hbm>> -> memref<8x512xi32, #tpu.memory_space<hbm>>
      tpu.wait_dma2 semaphore(%arg11 : memref<!tpu.dma_semaphore, #tpu.memory_space<semaphore_mem>>) src(%dma_wait3A_57 : memref<8x512xi32, #tpu.memory_space<hbm>>) dst(%arg6 : memref<8x512xi32, #tpu.memory_space<vmem>>)
      %lt3A_58 = arith.constant 24 : i32
      %lt3A_59 = arith.cmpi slt, %mul3A_53, %lt3A_58 : i32
      %convert_element_type3A_60 = arith.extui %lt3A_59 : i1 to i32
      %cond3A_61 = arith.constant 0 : i32
      %cond3A_62 = arith.cmpi ne, %convert_element_type3A_60, %cond3A_61 : i32
      scf.if %cond3A_62 {
        %add3A_88 = arith.constant 1 : i32
        %add3A_89 = arith.addi %mul3A_53, %add3A_88 : i32
        %mul3A_90 = arith.constant 8 : i32
        %mul3A_91 = arith.muli %add3A_89, %mul3A_90 : i32
        %dma_start3A_92 = tpu.memref_slice %arg3[%mul3A_91, %mul3A_2] : memref<200x16384xi32, #tpu.memory_space<hbm>> -> memref<8x512xi32, #tpu.memory_space<hbm>>
        %dma_start3A_93 = tpu.memref_slice %arg3[%mul3A_91, %mul3A_2] : memref<200x16384xi32, #tpu.memory_space<hbm>> -> memref<8x512xi32, #tpu.memory_space<hbm>>
        tpu.enqueue_dma source(%dma_start3A_93 : memref<8x512xi32, #tpu.memory_space<hbm>>) target(%arg7 : memref<8x512xi32, #tpu.memory_space<vmem>>) target_semaphore(%arg12 : memref<!tpu.dma_semaphore, #tpu.memory_space<semaphore_mem>>)
      } else {
      }
      %scan3A_63 = arith.constant 0 : i32
      %scan3A_64 = arith.constant 0 : i32
      %scan3A_65 = arith.constant 8 : i32
      %scan3A_66 = arith.addi %scan3A_64, %scan3A_65 : i32
      %scan3A_67 = arith.constant 1 : i32
      scf.for %scan3A_88 = %scan3A_64 to %scan3A_66 step %scan3A_67  : i32 {
        %mul3A_89 = arith.constant 8 : i32
        %mul3A_90 = arith.muli %mul3A_53, %mul3A_89 : i32
        %add3A_91 = arith.addi %mul3A_90, %scan3A_88 : i32
        %scan3A_92 = arith.constant 0 : i32
        %scan3A_93 = arith.constant 0 : i32
        %scan3A_94 = arith.constant 2 : i32
        %scan3A_95 = arith.addi %scan3A_93, %scan3A_94 : i32
        %scan3A_96 = arith.constant 1 : i32
        scf.for %scan3A_98 = %scan3A_93 to %scan3A_95 step %scan3A_96  : i32 {
          %mul3A_99 = arith.constant 2 : i32
          %mul3A_100 = arith.muli %mul3A_99, %scan3A_98 : i32
          %add3A_101 = arith.constant 0 : i32
          %add3A_102 = arith.addi %mul3A_100, %add3A_101 : i32
          %gt3A = arith.constant 0 : i32
          %gt3A_103 = arith.cmpi sgt, %mul3A_53, %gt3A : i32
          %gt3A_104 = arith.constant 0 : i32
          %gt3A_105 = arith.cmpi sgt, %scan3A_88, %gt3A_104 : i32
          %or3A = arith.ori %gt3A_103, %gt3A_105 : i1
          %gt3A_106 = arith.constant 0 : i32
          %gt3A_107 = arith.cmpi sgt, %scan3A_98, %gt3A_106 : i32
          %or3A_108 = arith.ori %or3A, %gt3A_107 : i1
          %convert_element_type3A_109 = arith.extui %or3A_108 : i1 to i32
          %cond3A_110 = arith.constant 0 : i32
          %cond3A_111 = arith.cmpi ne, %convert_element_type3A_109, %cond3A_110 : i32
          scf.if %cond3A_111 {
            %dma_wait3A_165 = arith.constant 0 : i32
            %dma_wait3A_166 = arith.constant 0 : i32
            %dma_wait3A_167 = arith.constant 0 : i32
            %dma_wait3A_168 = arith.constant 0 : i32
            %dma_wait3A_169 = arith.constant 0 : i32
            %dma_wait3A_170 = tpu.memref_slice %arg4[%dma_wait3A_165, %dma_wait3A_166, %dma_wait3A_167, %dma_wait3A_168, %dma_wait3A_169] : memref<200x8x128x8x128xf32, #tpu.memory_space<hbm>> -> memref<1x8x1x8x128xf32, #tpu.memory_space<hbm>>
            %dma_wait3A_171 = tpu.memref_squeeze %dma_wait3A_170 : memref<1x8x1x8x128xf32, #tpu.memory_space<hbm>> -> memref<8x1x8x128xf32, #tpu.memory_space<hbm>>
            %dma_wait3A_172 = arith.constant 0 : i32
            %dma_wait3A_173 = arith.constant 0 : i32
            %dma_wait3A_174 = arith.constant 0 : i32
            %dma_wait3A_175 = arith.constant 0 : i32
            %dma_wait3A_176 = tpu.memref_slice %arg4[%dma_wait3A_165, %dma_wait3A_172, %dma_wait3A_173, %dma_wait3A_174, %dma_wait3A_175] : memref<200x8x128x8x128xf32, #tpu.memory_space<hbm>> -> memref<1x8x1x8x128xf32, #tpu.memory_space<hbm>>
            %dma_wait3A_177 = tpu.memref_squeeze %dma_wait3A_176 : memref<1x8x1x8x128xf32, #tpu.memory_space<hbm>> -> memref<8x1x8x128xf32, #tpu.memory_space<hbm>>
            tpu.wait_dma2 semaphore(%arg13 : memref<!tpu.dma_semaphore, #tpu.memory_space<semaphore_mem>>) src(%arg8 : memref<8x1x8x128xf32, #tpu.memory_space<vmem>>) dst(%dma_wait3A_177 : memref<8x1x8x128xf32, #tpu.memory_space<hbm>>)
          } else {
          }
          %scan3A_112 = arith.constant 0 : i32
          %scan3A_113 = arith.constant 0 : i32
          %scan3A_114 = arith.constant 8 : i32
          %scan3A_115 = arith.addi %scan3A_113, %scan3A_114 : i32
          %scan3A_116 = arith.constant 1 : i32
          scf.for %scan3A_165 = %scan3A_113 to %scan3A_115 step %scan3A_116  : i32 {
            %mul3A_166 = arith.constant 128 : i32
            %mul3A_167 = arith.muli %add3A_102, %mul3A_166 : i32
            %mul3A_168 = arith.constant 16 : i32
            %mul3A_169 = arith.muli %mul3A_168, %scan3A_165 : i32
            %add3A_170 = arith.addi %mul3A_167, %mul3A_169 : i32
            %get3A = arith.index_cast %scan3A_88 : i32 to index
            %get3A_171 = arith.index_cast %add3A_170 : i32 to index
            %get3A_172 = tpu.vector_load %arg6[%get3A, %get3A_171] {strides = array<i32>} : memref<8x512xi32, #tpu.memory_space<vmem>>, vector<16xi32>,
            %mul3A_173 = arith.constant 65 : i32
            %mul3A_174 = vector.broadcast %mul3A_173 : i32 to vector<16xi32>
            %mul3A_175 = arith.muli %get3A_172, %mul3A_174 : vector<16xi32>
            %parallel_loop3A = arith.constant 0 : i32
            %parallel_loop3A_176 = arith.constant 64 : i32
            %parallel_loop3A_177 = arith.constant 1 : i32
            scf.for %parallel_loop3A_178 = %parallel_loop3A to %parallel_loop3A_176 step %parallel_loop3A_177  : i32 {
              %parallel_loop3A_179 = vector.broadcast %parallel_loop3A_178 : i32 to vector<16xi32>
              %parallel_loop3A_180 = arith.addi %mul3A_175, %parallel_loop3A_179 : vector<16xi32>
              %parallel_loop3A_181 = tpu.vector_load_idx %arg5[%parallel_loop3A_180] : memref<13520xf32, #tpu.memory_space<vmem>>[vector<16xi32>], vector<16xf32>,
              %parallel_loop3A_182 = arith.constant 8 : i32
              %parallel_loop3A_183 = arith.divsi %parallel_loop3A_178, %parallel_loop3A_182 : i32
              %parallel_loop3A_184 = arith.constant 0 : i32
              %parallel_loop3A_185 = arith.cmpi sgt, %parallel_loop3A_178, %parallel_loop3A_184 : i32
              %parallel_loop3A_186 = arith.extui %parallel_loop3A_185 : i1 to i32
              %parallel_loop3A_187 = arith.constant 0 : i32
              %parallel_loop3A_188 = arith.cmpi slt, %parallel_loop3A_178, %parallel_loop3A_187 : i32
              %parallel_loop3A_189 = arith.extui %parallel_loop3A_188 : i1 to i32
              %parallel_loop3A_190 = arith.subi %parallel_loop3A_186, %parallel_loop3A_189 : i32
              %parallel_loop3A_191 = arith.constant 0 : i32
              %parallel_loop3A_192 = arith.cmpi sgt, %parallel_loop3A_182, %parallel_loop3A_191 : i32
              %parallel_loop3A_193 = arith.extui %parallel_loop3A_192 : i1 to i32
              %parallel_loop3A_194 = arith.constant 0 : i32
              %parallel_loop3A_195 = arith.cmpi slt, %parallel_loop3A_182, %parallel_loop3A_194 : i32
              %parallel_loop3A_196 = arith.extui %parallel_loop3A_195 : i1 to i32
              %parallel_loop3A_197 = arith.subi %parallel_loop3A_193, %parallel_loop3A_196 : i32
              %parallel_loop3A_198 = arith.cmpi ne, %parallel_loop3A_190, %parallel_loop3A_197 : i32
              %parallel_loop3A_199 = arith.remsi %parallel_loop3A_178, %parallel_loop3A_182 : i32
              %parallel_loop3A_200 = arith.constant 0 : i32
              %parallel_loop3A_201 = arith.cmpi ne, %parallel_loop3A_199, %parallel_loop3A_200 : i32
              %parallel_loop3A_202 = arith.andi %parallel_loop3A_198, %parallel_loop3A_201 : i1
              %parallel_loop3A_203 = arith.constant 1 : i32
              %parallel_loop3A_204 = arith.subi %parallel_loop3A_183, %parallel_loop3A_203 : i32
              %parallel_loop3A_205 = arith.select %parallel_loop3A_202, %parallel_loop3A_204, %parallel_loop3A_183 : i32
              %parallel_loop3A_206 = arith.constant 8 : i32
              %parallel_loop3A_207 = arith.constant 0 : i32
              %parallel_loop3A_208 = arith.cmpi eq, %parallel_loop3A_206, %parallel_loop3A_207 : i32
              %parallel_loop3A_209 = arith.constant 1 : i32
              %parallel_loop3A_210 = arith.select %parallel_loop3A_208, %parallel_loop3A_209, %parallel_loop3A_206 : i32
              %parallel_loop3A_211 = arith.remsi %parallel_loop3A_178, %parallel_loop3A_210 : i32
              %parallel_loop3A_212 = arith.constant 0 : i32
              %parallel_loop3A_213 = arith.cmpi ne, %parallel_loop3A_211, %parallel_loop3A_212 : i32
              %parallel_loop3A_214 = arith.constant 0 : i32
              %parallel_loop3A_215 = arith.cmpi slt, %parallel_loop3A_211, %parallel_loop3A_214 : i32
              %parallel_loop3A_216 = arith.constant 0 : i32
              %parallel_loop3A_217 = arith.cmpi slt, %parallel_loop3A_210, %parallel_loop3A_216 : i32
              %parallel_loop3A_218 = arith.xori %parallel_loop3A_215, %parallel_loop3A_217 : i1
              %parallel_loop3A_219 = arith.andi %parallel_loop3A_218, %parallel_loop3A_213 : i1
              %parallel_loop3A_220 = arith.addi %parallel_loop3A_211, %parallel_loop3A_210 : i32
              %parallel_loop3A_221 = arith.select %parallel_loop3A_219, %parallel_loop3A_220, %parallel_loop3A_211 : i32
              %parallel_loop3A_222 = arith.constant 16 : i32
              %parallel_loop3A_223 = arith.muli %parallel_loop3A_222, %scan3A_165 : i32
              %parallel_loop3A_224 = arith.constant 0 : i32
              %parallel_loop3A_225 = arith.index_cast %parallel_loop3A_205 : i32 to index
              %parallel_loop3A_226 = arith.index_cast %parallel_loop3A_224 : i32 to index
              %parallel_loop3A_227 = arith.index_cast %parallel_loop3A_221 : i32 to index
              %parallel_loop3A_228 = arith.index_cast %parallel_loop3A_223 : i32 to index
              %parallel_loop3A_229 = tpu.vector_load %arg8[%parallel_loop3A_225, %parallel_loop3A_226, %parallel_loop3A_227, %parallel_loop3A_228] {strides = array<i32>} : memref<8x1x8x128xf32, #tpu.memory_space<vmem>>, vector<16xf32>,
              tpu.vector_store %arg8[%parallel_loop3A_225, %parallel_loop3A_226, %parallel_loop3A_227, %parallel_loop3A_228], %parallel_loop3A_181 {strides = array<i32>} : memref<8x1x8x128xf32, #tpu.memory_space<vmem>>, vector<16xf32>,
            } {sc.loop_unroll_factor = 16 : i64, sc.parallel_access}
          }
          %scan3A_117 = arith.constant 8 : i32
          %mul3A_118 = arith.constant 4 : i32
          %mul3A_119 = arith.muli %mul3A_118, %add3A : i32
          %add3A_120 = arith.addi %mul3A_119, %add3A_102 : i32
          %dma_start3A_121 = arith.constant 0 : i32
          %dma_start3A_122 = arith.constant 0 : i32
          %dma_start3A_123 = arith.constant 0 : i32
          %dma_start3A_124 = tpu.memref_slice %arg4[%add3A_91, %dma_start3A_121, %add3A_120, %dma_start3A_122, %dma_start3A_123] : memref<200x8x128x8x128xf32, #tpu.memory_space<hbm>> -> memref<1x8x1x8x128xf32, #tpu.memory_space<hbm>>
          %dma_start3A_125 = tpu.memref_squeeze %dma_start3A_124 : memref<1x8x1x8x128xf32, #tpu.memory_space<hbm>> -> memref<8x1x8x128xf32, #tpu.memory_space<hbm>>
          %dma_start3A_126 = arith.constant 0 : i32
          %dma_start3A_127 = arith.constant 0 : i32
          %dma_start3A_128 = arith.constant 0 : i32
          %dma_start3A_129 = tpu.memref_slice %arg4[%add3A_91, %dma_start3A_126, %add3A_120, %dma_start3A_127, %dma_start3A_128] : memref<200x8x128x8x128xf32, #tpu.memory_space<hbm>> -> memref<1x8x1x8x128xf32, #tpu.memory_space<hbm>>
          %dma_start3A_130 = tpu.memref_squeeze %dma_start3A_129 : memref<1x8x1x8x128xf32, #tpu.memory_space<hbm>> -> memref<8x1x8x128xf32, #tpu.memory_space<hbm>>
          tpu.enqueue_dma source(%arg8 : memref<8x1x8x128xf32, #tpu.memory_space<vmem>>) target(%dma_start3A_130 : memref<8x1x8x128xf32, #tpu.memory_space<hbm>>) target_semaphore(%arg13 : memref<!tpu.dma_semaphore, #tpu.memory_space<semaphore_mem>>)
          %mul3A_131 = arith.constant 2 : i32
          %mul3A_132 = arith.muli %mul3A_131, %scan3A_98 : i32
          %add3A_133 = arith.constant 1 : i32
          %add3A_134 = arith.addi %mul3A_132, %add3A_133 : i32
          %gt3A_135 = arith.constant 0 : i32
          %gt3A_136 = arith.cmpi sgt, %mul3A_53, %gt3A_135 : i32
          %gt3A_137 = arith.constant 0 : i32
          %gt3A_138 = arith.cmpi sgt, %scan3A_88, %gt3A_137 : i32
          %or3A_139 = arith.ori %gt3A_136, %gt3A_138 : i1
          %gt3A_140 = arith.constant 0 : i32
          %gt3A_141 = arith.cmpi sgt, %scan3A_98, %gt3A_140 : i32
          %or3A_142 = arith.ori %or3A_139, %gt3A_141 : i1
          %convert_element_type3A_143 = arith.extui %or3A_142 : i1 to i32
          %cond3A_144 = arith.constant 0 : i32
          %cond3A_145 = arith.cmpi ne, %convert_element_type3A_143, %cond3A_144 : i32
          scf.if %cond3A_145 {
            %dma_wait3A_165 = arith.constant 0 : i32
            %dma_wait3A_166 = arith.constant 0 : i32
            %dma_wait3A_167 = arith.constant 0 : i32
            %dma_wait3A_168 = arith.constant 0 : i32
            %dma_wait3A_169 = arith.constant 0 : i32
            %dma_wait3A_170 = tpu.memref_slice %arg4[%dma_wait3A_165, %dma_wait3A_166, %dma_wait3A_167, %dma_wait3A_168, %dma_wait3A_169] : memref<200x8x128x8x128xf32, #tpu.memory_space<hbm>> -> memref<1x8x1x8x128xf32, #tpu.memory_space<hbm>>
            %dma_wait3A_171 = tpu.memref_squeeze %dma_wait3A_170 : memref<1x8x1x8x128xf32, #tpu.memory_space<hbm>> -> memref<8x1x8x128xf32, #tpu.memory_space<hbm>>
            %dma_wait3A_172 = arith.constant 0 : i32
            %dma_wait3A_173 = arith.constant 0 : i32
            %dma_wait3A_174 = arith.constant 0 : i32
            %dma_wait3A_175 = arith.constant 0 : i32
            %dma_wait3A_176 = tpu.memref_slice %arg4[%dma_wait3A_165, %dma_wait3A_172, %dma_wait3A_173, %dma_wait3A_174, %dma_wait3A_175] : memref<200x8x128x8x128xf32, #tpu.memory_space<hbm>> -> memref<1x8x1x8x128xf32, #tpu.memory_space<hbm>>
            %dma_wait3A_177 = tpu.memref_squeeze %dma_wait3A_176 : memref<1x8x1x8x128xf32, #tpu.memory_space<hbm>> -> memref<8x1x8x128xf32, #tpu.memory_space<hbm>>
            tpu.wait_dma2 semaphore(%arg14 : memref<!tpu.dma_semaphore, #tpu.memory_space<semaphore_mem>>) src(%arg9 : memref<8x1x8x128xf32, #tpu.memory_space<vmem>>) dst(%dma_wait3A_177 : memref<8x1x8x128xf32, #tpu.memory_space<hbm>>)
          } else {
          }
          %scan3A_146 = arith.constant 0 : i32
          %scan3A_147 = arith.constant 0 : i32
          %scan3A_148 = arith.constant 8 : i32
          %scan3A_149 = arith.addi %scan3A_147, %scan3A_148 : i32
          %scan3A_150 = arith.constant 1 : i32
          scf.for %scan3A_165 = %scan3A_147 to %scan3A_149 step %scan3A_150  : i32 {
            %mul3A_166 = arith.constant 128 : i32
            %mul3A_167 = arith.muli %add3A_134, %mul3A_166 : i32
            %mul3A_168 = arith.constant 16 : i32
            %mul3A_169 = arith.muli %mul3A_168, %scan3A_165 : i32
            %add3A_170 = arith.addi %mul3A_167, %mul3A_169 : i32
            %get3A = arith.index_cast %scan3A_88 : i32 to index
            %get3A_171 = arith.index_cast %add3A_170 : i32 to index
            %get3A_172 = tpu.vector_load %arg6[%get3A, %get3A_171] {strides = array<i32>} : memref<8x512xi32, #tpu.memory_space<vmem>>, vector<16xi32>,
            %mul3A_173 = arith.constant 65 : i32
            %mul3A_174 = vector.broadcast %mul3A_173 : i32 to vector<16xi32>
            %mul3A_175 = arith.muli %get3A_172, %mul3A_174 : vector<16xi32>
            %parallel_loop3A = arith.constant 0 : i32
            %parallel_loop3A_176 = arith.constant 64 : i32
            %parallel_loop3A_177 = arith.constant 1 : i32
            scf.for %parallel_loop3A_178 = %parallel_loop3A to %parallel_loop3A_176 step %parallel_loop3A_177  : i32 {
              %parallel_loop3A_179 = vector.broadcast %parallel_loop3A_178 : i32 to vector<16xi32>
              %parallel_loop3A_180 = arith.addi %mul3A_175, %parallel_loop3A_179 : vector<16xi32>
              %parallel_loop3A_181 = tpu.vector_load_idx %arg5[%parallel_loop3A_180] : memref<13520xf32, #tpu.memory_space<vmem>>[vector<16xi32>], vector<16xf32>,
              %parallel_loop3A_182 = arith.constant 8 : i32
              %parallel_loop3A_183 = arith.divsi %parallel_loop3A_178, %parallel_loop3A_182 : i32
              %parallel_loop3A_184 = arith.constant 0 : i32
              %parallel_loop3A_185 = arith.cmpi sgt, %parallel_loop3A_178, %parallel_loop3A_184 : i32
              %parallel_loop3A_186 = arith.extui %parallel_loop3A_185 : i1 to i32
              %parallel_loop3A_187 = arith.constant 0 : i32
              %parallel_loop3A_188 = arith.cmpi slt, %parallel_loop3A_178, %parallel_loop3A_187 : i32
              %parallel_loop3A_189 = arith.extui %parallel_loop3A_188 : i1 to i32
              %parallel_loop3A_190 = arith.subi %parallel_loop3A_186, %parallel_loop3A_189 : i32
              %parallel_loop3A_191 = arith.constant 0 : i32
              %parallel_loop3A_192 = arith.cmpi sgt, %parallel_loop3A_182, %parallel_loop3A_191 : i32
              %parallel_loop3A_193 = arith.extui %parallel_loop3A_192 : i1 to i32
              %parallel_loop3A_194 = arith.constant 0 : i32
              %parallel_loop3A_195 = arith.cmpi slt, %parallel_loop3A_182, %parallel_loop3A_194 : i32
              %parallel_loop3A_196 = arith.extui %parallel_loop3A_195 : i1 to i32
              %parallel_loop3A_197 = arith.subi %parallel_loop3A_193, %parallel_loop3A_196 : i32
              %parallel_loop3A_198 = arith.cmpi ne, %parallel_loop3A_190, %parallel_loop3A_197 : i32
              %parallel_loop3A_199 = arith.remsi %parallel_loop3A_178, %parallel_loop3A_182 : i32
              %parallel_loop3A_200 = arith.constant 0 : i32
              %parallel_loop3A_201 = arith.cmpi ne, %parallel_loop3A_199, %parallel_loop3A_200 : i32
              %parallel_loop3A_202 = arith.andi %parallel_loop3A_198, %parallel_loop3A_201 : i1
              %parallel_loop3A_203 = arith.constant 1 : i32
              %parallel_loop3A_204 = arith.subi %parallel_loop3A_183, %parallel_loop3A_203 : i32
              %parallel_loop3A_205 = arith.select %parallel_loop3A_202, %parallel_loop3A_204, %parallel_loop3A_183 : i32
              %parallel_loop3A_206 = arith.constant 8 : i32
              %parallel_loop3A_207 = arith.constant 0 : i32
              %parallel_loop3A_208 = arith.cmpi eq, %parallel_loop3A_206, %parallel_loop3A_207 : i32
              %parallel_loop3A_209 = arith.constant 1 : i32
              %parallel_loop3A_210 = arith.select %parallel_loop3A_208, %parallel_loop3A_209, %parallel_loop3A_206 : i32
              %parallel_loop3A_211 = arith.remsi %parallel_loop3A_178, %parallel_loop3A_210 : i32
              %parallel_loop3A_212 = arith.constant 0 : i32
              %parallel_loop3A_213 = arith.cmpi ne, %parallel_loop3A_211, %parallel_loop3A_212 : i32
              %parallel_loop3A_214 = arith.constant 0 : i32
              %parallel_loop3A_215 = arith.cmpi slt, %parallel_loop3A_211, %parallel_loop3A_214 : i32
              %parallel_loop3A_216 = arith.constant 0 : i32
              %parallel_loop3A_217 = arith.cmpi slt, %parallel_loop3A_210, %parallel_loop3A_216 : i32
              %parallel_loop3A_218 = arith.xori %parallel_loop3A_215, %parallel_loop3A_217 : i1
              %parallel_loop3A_219 = arith.andi %parallel_loop3A_218, %parallel_loop3A_213 : i1
              %parallel_loop3A_220 = arith.addi %parallel_loop3A_211, %parallel_loop3A_210 : i32
              %parallel_loop3A_221 = arith.select %parallel_loop3A_219, %parallel_loop3A_220, %parallel_loop3A_211 : i32
              %parallel_loop3A_222 = arith.constant 16 : i32
              %parallel_loop3A_223 = arith.muli %parallel_loop3A_222, %scan3A_165 : i32
              %parallel_loop3A_224 = arith.constant 0 : i32
              %parallel_loop3A_225 = arith.index_cast %parallel_loop3A_205 : i32 to index
              %parallel_loop3A_226 = arith.index_cast %parallel_loop3A_224 : i32 to index
              %parallel_loop3A_227 = arith.index_cast %parallel_loop3A_221 : i32 to index
              %parallel_loop3A_228 = arith.index_cast %parallel_loop3A_223 : i32 to index
              %parallel_loop3A_229 = tpu.vector_load %arg9[%parallel_loop3A_225, %parallel_loop3A_226, %parallel_loop3A_227, %parallel_loop3A_228] {strides = array<i32>} : memref<8x1x8x128xf32, #tpu.memory_space<vmem>>, vector<16xf32>,
              tpu.vector_store %arg9[%parallel_loop3A_225, %parallel_loop3A_226, %parallel_loop3A_227, %parallel_loop3A_228], %parallel_loop3A_181 {strides = array<i32>} : memref<8x1x8x128xf32, #tpu.memory_space<vmem>>, vector<16xf32>,
            } {sc.loop_unroll_factor = 16 : i64, sc.parallel_access}
          }
          %scan3A_151 = arith.constant 8 : i32
          %mul3A_152 = arith.constant 4 : i32
          %mul3A_153 = arith.muli %mul3A_152, %add3A : i32
          %add3A_154 = arith.addi %mul3A_153, %add3A_134 : i32
          %dma_start3A_155 = arith.constant 0 : i32
          %dma_start3A_156 = arith.constant 0 : i32
          %dma_start3A_157 = arith.constant 0 : i32
          %dma_start3A_158 = tpu.memref_slice %arg4[%add3A_91, %dma_start3A_155, %add3A_154, %dma_start3A_156, %dma_start3A_157] : memref<200x8x128x8x128xf32, #tpu.memory_space<hbm>> -> memref<1x8x1x8x128xf32, #tpu.memory_space<hbm>>
          %dma_start3A_159 = tpu.memref_squeeze %dma_start3A_158 : memref<1x8x1x8x128xf32, #tpu.memory_space<hbm>> -> memref<8x1x8x128xf32, #tpu.memory_space<hbm>>
          %dma_start3A_160 = arith.constant 0 : i32
          %dma_start3A_161 = arith.constant 0 : i32
          %dma_start3A_162 = arith.constant 0 : i32
          %dma_start3A_163 = tpu.memref_slice %arg4[%add3A_91, %dma_start3A_160, %add3A_154, %dma_start3A_161, %dma_start3A_162] : memref<200x8x128x8x128xf32, #tpu.memory_space<hbm>> -> memref<1x8x1x8x128xf32, #tpu.memory_space<hbm>>
          %dma_start3A_164 = tpu.memref_squeeze %dma_start3A_163 : memref<1x8x1x8x128xf32, #tpu.memory_space<hbm>> -> memref<8x1x8x128xf32, #tpu.memory_space<hbm>>
          tpu.enqueue_dma source(%arg9 : memref<8x1x8x128xf32, #tpu.memory_space<vmem>>) target(%dma_start3A_164 : memref<8x1x8x128xf32, #tpu.memory_space<hbm>>) target_semaphore(%arg14 : memref<!tpu.dma_semaphore, #tpu.memory_space<semaphore_mem>>)
        }
        %scan3A_97 = arith.constant 2 : i32
      }
      %scan3A_68 = arith.constant 8 : i32
      %mul3A_69 = arith.constant 2 : i32
      %mul3A_70 = arith.muli %mul3A_69, %scan3A_51 : i32
      %add3A_71 = arith.constant 1 : i32
      %add3A_72 = arith.addi %mul3A_70, %add3A_71 : i32
      %dma_wait3A_73 = arith.constant 0 : i32
      %dma_wait3A_74 = tpu.memref_slice %arg3[%dma_wait3A_73, %mul3A_2] : memref<200x16384xi32, #tpu.memory_space<hbm>> -> memref<8x512xi32, #tpu.memory_space<hbm>>
      %dma_wait3A_75 = arith.constant 0 : i32
      %dma_wait3A_76 = tpu.memref_slice %arg3[%dma_wait3A_75, %mul3A_2] : memref<200x16384xi32, #tpu.memory_space<hbm>> -> memref<8x512xi32, #tpu.memory_space<hbm>>
      tpu.wait_dma2 semaphore(%arg12 : memref<!tpu.dma_semaphore, #tpu.memory_space<semaphore_mem>>) src(%dma_wait3A_76 : memref<8x512xi32, #tpu.memory_space<hbm>>) dst(%arg7 : memref<8x512xi32, #tpu.memory_space<vmem>>)
      %lt3A_77 = arith.constant 24 : i32
      %lt3A_78 = arith.cmpi slt, %add3A_72, %lt3A_77 : i32
      %convert_element_type3A_79 = arith.extui %lt3A_78 : i1 to i32
      %cond3A_80 = arith.constant 0 : i32
      %cond3A_81 = arith.cmpi ne, %convert_element_type3A_79, %cond3A_80 : i32
      scf.if %cond3A_81 {
        %add3A_88 = arith.constant 1 : i32
        %add3A_89 = arith.addi %add3A_72, %add3A_88 : i32
        %mul3A_90 = arith.constant 8 : i32
        %mul3A_91 = arith.muli %add3A_89, %mul3A_90 : i32
        %dma_start3A_92 = tpu.memref_slice %arg3[%mul3A_91, %mul3A_2] : memref<200x16384xi32, #tpu.memory_space<hbm>> -> memref<8x512xi32, #tpu.memory_space<hbm>>
        %dma_start3A_93 = tpu.memref_slice %arg3[%mul3A_91, %mul3A_2] : memref<200x16384xi32, #tpu.memory_space<hbm>> -> memref<8x512xi32, #tpu.memory_space<hbm>>
        tpu.enqueue_dma source(%dma_start3A_93 : memref<8x512xi32, #tpu.memory_space<hbm>>) target(%arg6 : memref<8x512xi32, #tpu.memory_space<vmem>>) target_semaphore(%arg11 : memref<!tpu.dma_semaphore, #tpu.memory_space<semaphore_mem>>)
      } else {
      }
      %scan3A_82 = arith.constant 0 : i32
      %scan3A_83 = arith.constant 0 : i32
      %scan3A_84 = arith.constant 8 : i32
      %scan3A_85 = arith.addi %scan3A_83, %scan3A_84 : i32
      %scan3A_86 = arith.constant 1 : i32
      scf.for %scan3A_88 = %scan3A_83 to %scan3A_85 step %scan3A_86  : i32 {
        %mul3A_89 = arith.constant 8 : i32
        %mul3A_90 = arith.muli %add3A_72, %mul3A_89 : i32
        %add3A_91 = arith.addi %mul3A_90, %scan3A_88 : i32
        %scan3A_92 = arith.constant 0 : i32
        %scan3A_93 = arith.constant 0 : i32
        %scan3A_94 = arith.constant 2 : i32
        %scan3A_95 = arith.addi %scan3A_93, %scan3A_94 : i32
        %scan3A_96 = arith.constant 1 : i32
        scf.for %scan3A_98 = %scan3A_93 to %scan3A_95 step %scan3A_96  : i32 {
          %mul3A_99 = arith.constant 2 : i32
          %mul3A_100 = arith.muli %mul3A_99, %scan3A_98 : i32
          %add3A_101 = arith.constant 0 : i32
          %add3A_102 = arith.addi %mul3A_100, %add3A_101 : i32
          %gt3A = arith.constant 0 : i32
          %gt3A_103 = arith.cmpi sgt, %add3A_72, %gt3A : i32
          %gt3A_104 = arith.constant 0 : i32
          %gt3A_105 = arith.cmpi sgt, %scan3A_88, %gt3A_104 : i32
          %or3A = arith.ori %gt3A_103, %gt3A_105 : i1
          %gt3A_106 = arith.constant 0 : i32
          %gt3A_107 = arith.cmpi sgt, %scan3A_98, %gt3A_106 : i32
          %or3A_108 = arith.ori %or3A, %gt3A_107 : i1
          %convert_element_type3A_109 = arith.extui %or3A_108 : i1 to i32
          %cond3A_110 = arith.constant 0 : i32
          %cond3A_111 = arith.cmpi ne, %convert_element_type3A_109, %cond3A_110 : i32
          scf.if %cond3A_111 {
            %dma_wait3A_165 = arith.constant 0 : i32
            %dma_wait3A_166 = arith.constant 0 : i32
            %dma_wait3A_167 = arith.constant 0 : i32
            %dma_wait3A_168 = arith.constant 0 : i32
            %dma_wait3A_169 = arith.constant 0 : i32
            %dma_wait3A_170 = tpu.memref_slice %arg4[%dma_wait3A_165, %dma_wait3A_166, %dma_wait3A_167, %dma_wait3A_168, %dma_wait3A_169] : memref<200x8x128x8x128xf32, #tpu.memory_space<hbm>> -> memref<1x8x1x8x128xf32, #tpu.memory_space<hbm>>
            %dma_wait3A_171 = tpu.memref_squeeze %dma_wait3A_170 : memref<1x8x1x8x128xf32, #tpu.memory_space<hbm>> -> memref<8x1x8x128xf32, #tpu.memory_space<hbm>>
            %dma_wait3A_172 = arith.constant 0 : i32
            %dma_wait3A_173 = arith.constant 0 : i32
            %dma_wait3A_174 = arith.constant 0 : i32
            %dma_wait3A_175 = arith.constant 0 : i32
            %dma_wait3A_176 = tpu.memref_slice %arg4[%dma_wait3A_165, %dma_wait3A_172, %dma_wait3A_173, %dma_wait3A_174, %dma_wait3A_175] : memref<200x8x128x8x128xf32, #tpu.memory_space<hbm>> -> memref<1x8x1x8x128xf32, #tpu.memory_space<hbm>>
            %dma_wait3A_177 = tpu.memref_squeeze %dma_wait3A_176 : memref<1x8x1x8x128xf32, #tpu.memory_space<hbm>> -> memref<8x1x8x128xf32, #tpu.memory_space<hbm>>
            tpu.wait_dma2 semaphore(%arg13 : memref<!tpu.dma_semaphore, #tpu.memory_space<semaphore_mem>>) src(%arg8 : memref<8x1x8x128xf32, #tpu.memory_space<vmem>>) dst(%dma_wait3A_177 : memref<8x1x8x128xf32, #tpu.memory_space<hbm>>)
          } else {
          }
          %scan3A_112 = arith.constant 0 : i32
          %scan3A_113 = arith.constant 0 : i32
          %scan3A_114 = arith.constant 8 : i32
          %scan3A_115 = arith.addi %scan3A_113, %scan3A_114 : i32
          %scan3A_116 = arith.constant 1 : i32
          scf.for %scan3A_165 = %scan3A_113 to %scan3A_115 step %scan3A_116  : i32 {
            %mul3A_166 = arith.constant 128 : i32
            %mul3A_167 = arith.muli %add3A_102, %mul3A_166 : i32
            %mul3A_168 = arith.constant 16 : i32
            %mul3A_169 = arith.muli %mul3A_168, %scan3A_165 : i32
            %add3A_170 = arith.addi %mul3A_167, %mul3A_169 : i32
            %get3A = arith.index_cast %scan3A_88 : i32 to index
            %get3A_171 = arith.index_cast %add3A_170 : i32 to index
            %get3A_172 = tpu.vector_load %arg7[%get3A, %get3A_171] {strides = array<i32>} : memref<8x512xi32, #tpu.memory_space<vmem>>, vector<16xi32>,
            %mul3A_173 = arith.constant 65 : i32
            %mul3A_174 = vector.broadcast %mul3A_173 : i32 to vector<16xi32>
            %mul3A_175 = arith.muli %get3A_172, %mul3A_174 : vector<16xi32>
            %parallel_loop3A = arith.constant 0 : i32
            %parallel_loop3A_176 = arith.constant 64 : i32
            %parallel_loop3A_177 = arith.constant 1 : i32
            scf.for %parallel_loop3A_178 = %parallel_loop3A to %parallel_loop3A_176 step %parallel_loop3A_177  : i32 {
              %parallel_loop3A_179 = vector.broadcast %parallel_loop3A_178 : i32 to vector<16xi32>
              %parallel_loop3A_180 = arith.addi %mul3A_175, %parallel_loop3A_179 : vector<16xi32>
              %parallel_loop3A_181 = tpu.vector_load_idx %arg5[%parallel_loop3A_180] : memref<13520xf32, #tpu.memory_space<vmem>>[vector<16xi32>], vector<16xf32>,
              %parallel_loop3A_182 = arith.constant 8 : i32
              %parallel_loop3A_183 = arith.divsi %parallel_loop3A_178, %parallel_loop3A_182 : i32
              %parallel_loop3A_184 = arith.constant 0 : i32
              %parallel_loop3A_185 = arith.cmpi sgt, %parallel_loop3A_178, %parallel_loop3A_184 : i32
              %parallel_loop3A_186 = arith.extui %parallel_loop3A_185 : i1 to i32
              %parallel_loop3A_187 = arith.constant 0 : i32
              %parallel_loop3A_188 = arith.cmpi slt, %parallel_loop3A_178, %parallel_loop3A_187 : i32
              %parallel_loop3A_189 = arith.extui %parallel_loop3A_188 : i1 to i32
              %parallel_loop3A_190 = arith.subi %parallel_loop3A_186, %parallel_loop3A_189 : i32
              %parallel_loop3A_191 = arith.constant 0 : i32
              %parallel_loop3A_192 = arith.cmpi sgt, %parallel_loop3A_182, %parallel_loop3A_191 : i32
              %parallel_loop3A_193 = arith.extui %parallel_loop3A_192 : i1 to i32
              %parallel_loop3A_194 = arith.constant 0 : i32
              %parallel_loop3A_195 = arith.cmpi slt, %parallel_loop3A_182, %parallel_loop3A_194 : i32
              %parallel_loop3A_196 = arith.extui %parallel_loop3A_195 : i1 to i32
              %parallel_loop3A_197 = arith.subi %parallel_loop3A_193, %parallel_loop3A_196 : i32
              %parallel_loop3A_198 = arith.cmpi ne, %parallel_loop3A_190, %parallel_loop3A_197 : i32
              %parallel_loop3A_199 = arith.remsi %parallel_loop3A_178, %parallel_loop3A_182 : i32
              %parallel_loop3A_200 = arith.constant 0 : i32
              %parallel_loop3A_201 = arith.cmpi ne, %parallel_loop3A_199, %parallel_loop3A_200 : i32
              %parallel_loop3A_202 = arith.andi %parallel_loop3A_198, %parallel_loop3A_201 : i1
              %parallel_loop3A_203 = arith.constant 1 : i32
              %parallel_loop3A_204 = arith.subi %parallel_loop3A_183, %parallel_loop3A_203 : i32
              %parallel_loop3A_205 = arith.select %parallel_loop3A_202, %parallel_loop3A_204, %parallel_loop3A_183 : i32
              %parallel_loop3A_206 = arith.constant 8 : i32
              %parallel_loop3A_207 = arith.constant 0 : i32
              %parallel_loop3A_208 = arith.cmpi eq, %parallel_loop3A_206, %parallel_loop3A_207 : i32
              %parallel_loop3A_209 = arith.constant 1 : i32
              %parallel_loop3A_210 = arith.select %parallel_loop3A_208, %parallel_loop3A_209, %parallel_loop3A_206 : i32
              %parallel_loop3A_211 = arith.remsi %parallel_loop3A_178, %parallel_loop3A_210 : i32
              %parallel_loop3A_212 = arith.constant 0 : i32
              %parallel_loop3A_213 = arith.cmpi ne, %parallel_loop3A_211, %parallel_loop3A_212 : i32
              %parallel_loop3A_214 = arith.constant 0 : i32
              %parallel_loop3A_215 = arith.cmpi slt, %parallel_loop3A_211, %parallel_loop3A_214 : i32
              %parallel_loop3A_216 = arith.constant 0 : i32
              %parallel_loop3A_217 = arith.cmpi slt, %parallel_loop3A_210, %parallel_loop3A_216 : i32
              %parallel_loop3A_218 = arith.xori %parallel_loop3A_215, %parallel_loop3A_217 : i1
              %parallel_loop3A_219 = arith.andi %parallel_loop3A_218, %parallel_loop3A_213 : i1
              %parallel_loop3A_220 = arith.addi %parallel_loop3A_211, %parallel_loop3A_210 : i32
              %parallel_loop3A_221 = arith.select %parallel_loop3A_219, %parallel_loop3A_220, %parallel_loop3A_211 : i32
              %parallel_loop3A_222 = arith.constant 16 : i32
              %parallel_loop3A_223 = arith.muli %parallel_loop3A_222, %scan3A_165 : i32
              %parallel_loop3A_224 = arith.constant 0 : i32
              %parallel_loop3A_225 = arith.index_cast %parallel_loop3A_205 : i32 to index
              %parallel_loop3A_226 = arith.index_cast %parallel_loop3A_224 : i32 to index
              %parallel_loop3A_227 = arith.index_cast %parallel_loop3A_221 : i32 to index
              %parallel_loop3A_228 = arith.index_cast %parallel_loop3A_223 : i32 to index
              %parallel_loop3A_229 = tpu.vector_load %arg8[%parallel_loop3A_225, %parallel_loop3A_226, %parallel_loop3A_227, %parallel_loop3A_228] {strides = array<i32>} : memref<8x1x8x128xf32, #tpu.memory_space<vmem>>, vector<16xf32>,
              tpu.vector_store %arg8[%parallel_loop3A_225, %parallel_loop3A_226, %parallel_loop3A_227, %parallel_loop3A_228], %parallel_loop3A_181 {strides = array<i32>} : memref<8x1x8x128xf32, #tpu.memory_space<vmem>>, vector<16xf32>,
            } {sc.loop_unroll_factor = 16 : i64, sc.parallel_access}
          }
          %scan3A_117 = arith.constant 8 : i32
          %mul3A_118 = arith.constant 4 : i32
          %mul3A_119 = arith.muli %mul3A_118, %add3A : i32
          %add3A_120 = arith.addi %mul3A_119, %add3A_102 : i32
          %dma_start3A_121 = arith.constant 0 : i32
          %dma_start3A_122 = arith.constant 0 : i32
          %dma_start3A_123 = arith.constant 0 : i32
          %dma_start3A_124 = tpu.memref_slice %arg4[%add3A_91, %dma_start3A_121, %add3A_120, %dma_start3A_122, %dma_start3A_123] : memref<200x8x128x8x128xf32, #tpu.memory_space<hbm>> -> memref<1x8x1x8x128xf32, #tpu.memory_space<hbm>>
          %dma_start3A_125 = tpu.memref_squeeze %dma_start3A_124 : memref<1x8x1x8x128xf32, #tpu.memory_space<hbm>> -> memref<8x1x8x128xf32, #tpu.memory_space<hbm>>
          %dma_start3A_126 = arith.constant 0 : i32
          %dma_start3A_127 = arith.constant 0 : i32
          %dma_start3A_128 = arith.constant 0 : i32
          %dma_start3A_129 = tpu.memref_slice %arg4[%add3A_91, %dma_start3A_126, %add3A_120, %dma_start3A_127, %dma_start3A_128] : memref<200x8x128x8x128xf32, #tpu.memory_space<hbm>> -> memref<1x8x1x8x128xf32, #tpu.memory_space<hbm>>
          %dma_start3A_130 = tpu.memref_squeeze %dma_start3A_129 : memref<1x8x1x8x128xf32, #tpu.memory_space<hbm>> -> memref<8x1x8x128xf32, #tpu.memory_space<hbm>>
          tpu.enqueue_dma source(%arg8 : memref<8x1x8x128xf32, #tpu.memory_space<vmem>>) target(%dma_start3A_130 : memref<8x1x8x128xf32, #tpu.memory_space<hbm>>) target_semaphore(%arg13 : memref<!tpu.dma_semaphore, #tpu.memory_space<semaphore_mem>>)
          %mul3A_131 = arith.constant 2 : i32
          %mul3A_132 = arith.muli %mul3A_131, %scan3A_98 : i32
          %add3A_133 = arith.constant 1 : i32
          %add3A_134 = arith.addi %mul3A_132, %add3A_133 : i32
          %gt3A_135 = arith.constant 0 : i32
          %gt3A_136 = arith.cmpi sgt, %add3A_72, %gt3A_135 : i32
          %gt3A_137 = arith.constant 0 : i32
          %gt3A_138 = arith.cmpi sgt, %scan3A_88, %gt3A_137 : i32
          %or3A_139 = arith.ori %gt3A_136, %gt3A_138 : i1
          %gt3A_140 = arith.constant 0 : i32
          %gt3A_141 = arith.cmpi sgt, %scan3A_98, %gt3A_140 : i32
          %or3A_142 = arith.ori %or3A_139, %gt3A_141 : i1
          %convert_element_type3A_143 = arith.extui %or3A_142 : i1 to i32
          %cond3A_144 = arith.constant 0 : i32
          %cond3A_145 = arith.cmpi ne, %convert_element_type3A_143, %cond3A_144 : i32
          scf.if %cond3A_145 {
            %dma_wait3A_165 = arith.constant 0 : i32
            %dma_wait3A_166 = arith.constant 0 : i32
            %dma_wait3A_167 = arith.constant 0 : i32
            %dma_wait3A_168 = arith.constant 0 : i32
            %dma_wait3A_169 = arith.constant 0 : i32
            %dma_wait3A_170 = tpu.memref_slice %arg4[%dma_wait3A_165, %dma_wait3A_166, %dma_wait3A_167, %dma_wait3A_168, %dma_wait3A_169] : memref<200x8x128x8x128xf32, #tpu.memory_space<hbm>> -> memref<1x8x1x8x128xf32, #tpu.memory_space<hbm>>
            %dma_wait3A_171 = tpu.memref_squeeze %dma_wait3A_170 : memref<1x8x1x8x128xf32, #tpu.memory_space<hbm>> -> memref<8x1x8x128xf32, #tpu.memory_space<hbm>>
            %dma_wait3A_172 = arith.constant 0 : i32
            %dma_wait3A_173 = arith.constant 0 : i32
            %dma_wait3A_174 = arith.constant 0 : i32
            %dma_wait3A_175 = arith.constant 0 : i32
            %dma_wait3A_176 = tpu.memref_slice %arg4[%dma_wait3A_165, %dma_wait3A_172, %dma_wait3A_173, %dma_wait3A_174, %dma_wait3A_175] : memref<200x8x128x8x128xf32, #tpu.memory_space<hbm>> -> memref<1x8x1x8x128xf32, #tpu.memory_space<hbm>>
            %dma_wait3A_177 = tpu.memref_squeeze %dma_wait3A_176 : memref<1x8x1x8x128xf32, #tpu.memory_space<hbm>> -> memref<8x1x8x128xf32, #tpu.memory_space<hbm>>
            tpu.wait_dma2 semaphore(%arg14 : memref<!tpu.dma_semaphore, #tpu.memory_space<semaphore_mem>>) src(%arg9 : memref<8x1x8x128xf32, #tpu.memory_space<vmem>>) dst(%dma_wait3A_177 : memref<8x1x8x128xf32, #tpu.memory_space<hbm>>)
          } else {
          }
          %scan3A_146 = arith.constant 0 : i32
          %scan3A_147 = arith.constant 0 : i32
          %scan3A_148 = arith.constant 8 : i32
          %scan3A_149 = arith.addi %scan3A_147, %scan3A_148 : i32
          %scan3A_150 = arith.constant 1 : i32
          scf.for %scan3A_165 = %scan3A_147 to %scan3A_149 step %scan3A_150  : i32 {
            %mul3A_166 = arith.constant 128 : i32
            %mul3A_167 = arith.muli %add3A_134, %mul3A_166 : i32
            %mul3A_168 = arith.constant 16 : i32
            %mul3A_169 = arith.muli %mul3A_168, %scan3A_165 : i32
            %add3A_170 = arith.addi %mul3A_167, %mul3A_169 : i32
            %get3A = arith.index_cast %scan3A_88 : i32 to index
            %get3A_171 = arith.index_cast %add3A_170 : i32 to index
            %get3A_172 = tpu.vector_load %arg7[%get3A, %get3A_171] {strides = array<i32>} : memref<8x512xi32, #tpu.memory_space<vmem>>, vector<16xi32>,
            %mul3A_173 = arith.constant 65 : i32
            %mul3A_174 = vector.broadcast %mul3A_173 : i32 to vector<16xi32>
            %mul3A_175 = arith.muli %get3A_172, %mul3A_174 : vector<16xi32>
            %parallel_loop3A = arith.constant 0 : i32
            %parallel_loop3A_176 = arith.constant 64 : i32
            %parallel_loop3A_177 = arith.constant 1 : i32
            scf.for %parallel_loop3A_178 = %parallel_loop3A to %parallel_loop3A_176 step %parallel_loop3A_177  : i32 {
              %parallel_loop3A_179 = vector.broadcast %parallel_loop3A_178 : i32 to vector<16xi32>
              %parallel_loop3A_180 = arith.addi %mul3A_175, %parallel_loop3A_179 : vector<16xi32>
              %parallel_loop3A_181 = tpu.vector_load_idx %arg5[%parallel_loop3A_180] : memref<13520xf32, #tpu.memory_space<vmem>>[vector<16xi32>], vector<16xf32>,
              %parallel_loop3A_182 = arith.constant 8 : i32
              %parallel_loop3A_183 = arith.divsi %parallel_loop3A_178, %parallel_loop3A_182 : i32
              %parallel_loop3A_184 = arith.constant 0 : i32
              %parallel_loop3A_185 = arith.cmpi sgt, %parallel_loop3A_178, %parallel_loop3A_184 : i32
              %parallel_loop3A_186 = arith.extui %parallel_loop3A_185 : i1 to i32
              %parallel_loop3A_187 = arith.constant 0 : i32
              %parallel_loop3A_188 = arith.cmpi slt, %parallel_loop3A_178, %parallel_loop3A_187 : i32
              %parallel_loop3A_189 = arith.extui %parallel_loop3A_188 : i1 to i32
              %parallel_loop3A_190 = arith.subi %parallel_loop3A_186, %parallel_loop3A_189 : i32
              %parallel_loop3A_191 = arith.constant 0 : i32
              %parallel_loop3A_192 = arith.cmpi sgt, %parallel_loop3A_182, %parallel_loop3A_191 : i32
              %parallel_loop3A_193 = arith.extui %parallel_loop3A_192 : i1 to i32
              %parallel_loop3A_194 = arith.constant 0 : i32
              %parallel_loop3A_195 = arith.cmpi slt, %parallel_loop3A_182, %parallel_loop3A_194 : i32
              %parallel_loop3A_196 = arith.extui %parallel_loop3A_195 : i1 to i32
              %parallel_loop3A_197 = arith.subi %parallel_loop3A_193, %parallel_loop3A_196 : i32
              %parallel_loop3A_198 = arith.cmpi ne, %parallel_loop3A_190, %parallel_loop3A_197 : i32
              %parallel_loop3A_199 = arith.remsi %parallel_loop3A_178, %parallel_loop3A_182 : i32
              %parallel_loop3A_200 = arith.constant 0 : i32
              %parallel_loop3A_201 = arith.cmpi ne, %parallel_loop3A_199, %parallel_loop3A_200 : i32
              %parallel_loop3A_202 = arith.andi %parallel_loop3A_198, %parallel_loop3A_201 : i1
              %parallel_loop3A_203 = arith.constant 1 : i32
              %parallel_loop3A_204 = arith.subi %parallel_loop3A_183, %parallel_loop3A_203 : i32
              %parallel_loop3A_205 = arith.select %parallel_loop3A_202, %parallel_loop3A_204, %parallel_loop3A_183 : i32
              %parallel_loop3A_206 = arith.constant 8 : i32
              %parallel_loop3A_207 = arith.constant 0 : i32
              %parallel_loop3A_208 = arith.cmpi eq, %parallel_loop3A_206, %parallel_loop3A_207 : i32
              %parallel_loop3A_209 = arith.constant 1 : i32
              %parallel_loop3A_210 = arith.select %parallel_loop3A_208, %parallel_loop3A_209, %parallel_loop3A_206 : i32
              %parallel_loop3A_211 = arith.remsi %parallel_loop3A_178, %parallel_loop3A_210 : i32
              %parallel_loop3A_212 = arith.constant 0 : i32
              %parallel_loop3A_213 = arith.cmpi ne, %parallel_loop3A_211, %parallel_loop3A_212 : i32
              %parallel_loop3A_214 = arith.constant 0 : i32
              %parallel_loop3A_215 = arith.cmpi slt, %parallel_loop3A_211, %parallel_loop3A_214 : i32
              %parallel_loop3A_216 = arith.constant 0 : i32
              %parallel_loop3A_217 = arith.cmpi slt, %parallel_loop3A_210, %parallel_loop3A_216 : i32
              %parallel_loop3A_218 = arith.xori %parallel_loop3A_215, %parallel_loop3A_217 : i1
              %parallel_loop3A_219 = arith.andi %parallel_loop3A_218, %parallel_loop3A_213 : i1
              %parallel_loop3A_220 = arith.addi %parallel_loop3A_211, %parallel_loop3A_210 : i32
              %parallel_loop3A_221 = arith.select %parallel_loop3A_219, %parallel_loop3A_220, %parallel_loop3A_211 : i32
              %parallel_loop3A_222 = arith.constant 16 : i32
              %parallel_loop3A_223 = arith.muli %parallel_loop3A_222, %scan3A_165 : i32
              %parallel_loop3A_224 = arith.constant 0 : i32
              %parallel_loop3A_225 = arith.index_cast %parallel_loop3A_205 : i32 to index
              %parallel_loop3A_226 = arith.index_cast %parallel_loop3A_224 : i32 to index
              %parallel_loop3A_227 = arith.index_cast %parallel_loop3A_221 : i32 to index
              %parallel_loop3A_228 = arith.index_cast %parallel_loop3A_223 : i32 to index
              %parallel_loop3A_229 = tpu.vector_load %arg9[%parallel_loop3A_225, %parallel_loop3A_226, %parallel_loop3A_227, %parallel_loop3A_228] {strides = array<i32>} : memref<8x1x8x128xf32, #tpu.memory_space<vmem>>, vector<16xf32>,
              tpu.vector_store %arg9[%parallel_loop3A_225, %parallel_loop3A_226, %parallel_loop3A_227, %parallel_loop3A_228], %parallel_loop3A_181 {strides = array<i32>} : memref<8x1x8x128xf32, #tpu.memory_space<vmem>>, vector<16xf32>,
            } {sc.loop_unroll_factor = 16 : i64, sc.parallel_access}
          }
          %scan3A_151 = arith.constant 8 : i32
          %mul3A_152 = arith.constant 4 : i32
          %mul3A_153 = arith.muli %mul3A_152, %add3A : i32
          %add3A_154 = arith.addi %mul3A_153, %add3A_134 : i32
          %dma_start3A_155 = arith.constant 0 : i32
          %dma_start3A_156 = arith.constant 0 : i32
          %dma_start3A_157 = arith.constant 0 : i32
          %dma_start3A_158 = tpu.memref_slice %arg4[%add3A_91, %dma_start3A_155, %add3A_154, %dma_start3A_156, %dma_start3A_157] : memref<200x8x128x8x128xf32, #tpu.memory_space<hbm>> -> memref<1x8x1x8x128xf32, #tpu.memory_space<hbm>>
          %dma_start3A_159 = tpu.memref_squeeze %dma_start3A_158 : memref<1x8x1x8x128xf32, #tpu.memory_space<hbm>> -> memref<8x1x8x128xf32, #tpu.memory_space<hbm>>
          %dma_start3A_160 = arith.constant 0 : i32
          %dma_start3A_161 = arith.constant 0 : i32
          %dma_start3A_162 = arith.constant 0 : i32
          %dma_start3A_163 = tpu.memref_slice %arg4[%add3A_91, %dma_start3A_160, %add3A_154, %dma_start3A_161, %dma_start3A_162] : memref<200x8x128x8x128xf32, #tpu.memory_space<hbm>> -> memref<1x8x1x8x128xf32, #tpu.memory_space<hbm>>
          %dma_start3A_164 = tpu.memref_squeeze %dma_start3A_163 : memref<1x8x1x8x128xf32, #tpu.memory_space<hbm>> -> memref<8x1x8x128xf32, #tpu.memory_space<hbm>>
          tpu.enqueue_dma source(%arg9 : memref<8x1x8x128xf32, #tpu.memory_space<vmem>>) target(%dma_start3A_164 : memref<8x1x8x128xf32, #tpu.memory_space<hbm>>) target_semaphore(%arg14 : memref<!tpu.dma_semaphore, #tpu.memory_space<semaphore_mem>>)
        }
        %scan3A_97 = arith.constant 2 : i32
      }
      %scan3A_87 = arith.constant 8 : i32
    }
    %scan3A_10 = arith.constant 12 : i32
    %dma_wait3A = arith.constant 0 : i32
    %dma_wait3A_11 = tpu.memref_slice %arg3[%dma_wait3A, %mul3A_2] : memref<200x16384xi32, #tpu.memory_space<hbm>> -> memref<8x512xi32, #tpu.memory_space<hbm>>
    %dma_wait3A_12 = arith.constant 0 : i32
    %dma_wait3A_13 = tpu.memref_slice %arg3[%dma_wait3A_12, %mul3A_2] : memref<200x16384xi32, #tpu.memory_space<hbm>> -> memref<8x512xi32, #tpu.memory_space<hbm>>
    tpu.wait_dma2 semaphore(%arg11 : memref<!tpu.dma_semaphore, #tpu.memory_space<semaphore_mem>>) src(%dma_wait3A_13 : memref<8x512xi32, #tpu.memory_space<hbm>>) dst(%arg6 : memref<8x512xi32, #tpu.memory_space<vmem>>)
    %lt3A = arith.constant 24 : i32
    %lt3A_14 = arith.constant 24 : i32
    %lt3A_15 = arith.cmpi slt, %lt3A, %lt3A_14 : i32
    %convert_element_type3A = arith.extui %lt3A_15 : i1 to i32
    %cond3A = arith.constant 24 : i32
    %cond3A_16 = arith.constant 0 : i32
    %cond3A_17 = arith.cmpi ne, %convert_element_type3A, %cond3A_16 : i32
    scf.if %cond3A_17 {
      %add3A_51 = arith.constant 1 : i32
      %add3A_52 = arith.addi %cond3A, %add3A_51 : i32
      %mul3A_53 = arith.constant 8 : i32
      %mul3A_54 = arith.muli %add3A_52, %mul3A_53 : i32
      %dma_start3A_55 = tpu.memref_slice %arg3[%mul3A_54, %mul3A_2] : memref<200x16384xi32, #tpu.memory_space<hbm>> -> memref<8x512xi32, #tpu.memory_space<hbm>>
      %dma_start3A_56 = tpu.memref_slice %arg3[%mul3A_54, %mul3A_2] : memref<200x16384xi32, #tpu.memory_space<hbm>> -> memref<8x512xi32, #tpu.memory_space<hbm>>
      tpu.enqueue_dma source(%dma_start3A_56 : memref<8x512xi32, #tpu.memory_space<hbm>>) target(%arg7 : memref<8x512xi32, #tpu.memory_space<vmem>>) target_semaphore(%arg12 : memref<!tpu.dma_semaphore, #tpu.memory_space<semaphore_mem>>)
    } else {
    }
    %scan3A_18 = arith.constant 0 : i32
    %scan3A_19 = arith.constant 24 : i32
    %scan3A_20 = arith.constant 0 : i32
    %scan3A_21 = arith.constant 8 : i32
    %scan3A_22 = arith.addi %scan3A_20, %scan3A_21 : i32
    %scan3A_23 = arith.constant 1 : i32
    scf.for %scan3A_51 = %scan3A_20 to %scan3A_22 step %scan3A_23  : i32 {
      %mul3A_52 = arith.constant 8 : i32
      %mul3A_53 = arith.muli %scan3A_19, %mul3A_52 : i32
      %add3A_54 = arith.addi %mul3A_53, %scan3A_51 : i32
      %scan3A_55 = arith.constant 0 : i32
      %scan3A_56 = arith.constant 0 : i32
      %scan3A_57 = arith.constant 2 : i32
      %scan3A_58 = arith.addi %scan3A_56, %scan3A_57 : i32
      %scan3A_59 = arith.constant 1 : i32
      scf.for %scan3A_61 = %scan3A_56 to %scan3A_58 step %scan3A_59  : i32 {
        %mul3A_62 = arith.constant 2 : i32
        %mul3A_63 = arith.muli %mul3A_62, %scan3A_61 : i32
        %add3A_64 = arith.constant 0 : i32
        %add3A_65 = arith.addi %mul3A_63, %add3A_64 : i32
        %gt3A = arith.constant 0 : i32
        %gt3A_66 = arith.cmpi sgt, %scan3A_19, %gt3A : i32
        %gt3A_67 = arith.constant 0 : i32
        %gt3A_68 = arith.cmpi sgt, %scan3A_51, %gt3A_67 : i32
        %or3A = arith.ori %gt3A_66, %gt3A_68 : i1
        %gt3A_69 = arith.constant 0 : i32
        %gt3A_70 = arith.cmpi sgt, %scan3A_61, %gt3A_69 : i32
        %or3A_71 = arith.ori %or3A, %gt3A_70 : i1
        %convert_element_type3A_72 = arith.extui %or3A_71 : i1 to i32
        %cond3A_73 = arith.constant 0 : i32
        %cond3A_74 = arith.cmpi ne, %convert_element_type3A_72, %cond3A_73 : i32
        scf.if %cond3A_74 {
          %dma_wait3A_128 = arith.constant 0 : i32
          %dma_wait3A_129 = arith.constant 0 : i32
          %dma_wait3A_130 = arith.constant 0 : i32
          %dma_wait3A_131 = arith.constant 0 : i32
          %dma_wait3A_132 = arith.constant 0 : i32
          %dma_wait3A_133 = tpu.memref_slice %arg4[%dma_wait3A_128, %dma_wait3A_129, %dma_wait3A_130, %dma_wait3A_131, %dma_wait3A_132] : memref<200x8x128x8x128xf32, #tpu.memory_space<hbm>> -> memref<1x8x1x8x128xf32, #tpu.memory_space<hbm>>
          %dma_wait3A_134 = tpu.memref_squeeze %dma_wait3A_133 : memref<1x8x1x8x128xf32, #tpu.memory_space<hbm>> -> memref<8x1x8x128xf32, #tpu.memory_space<hbm>>
          %dma_wait3A_135 = arith.constant 0 : i32
          %dma_wait3A_136 = arith.constant 0 : i32
          %dma_wait3A_137 = arith.constant 0 : i32
          %dma_wait3A_138 = arith.constant 0 : i32
          %dma_wait3A_139 = tpu.memref_slice %arg4[%dma_wait3A_128, %dma_wait3A_135, %dma_wait3A_136, %dma_wait3A_137, %dma_wait3A_138] : memref<200x8x128x8x128xf32, #tpu.memory_space<hbm>> -> memref<1x8x1x8x128xf32, #tpu.memory_space<hbm>>
          %dma_wait3A_140 = tpu.memref_squeeze %dma_wait3A_139 : memref<1x8x1x8x128xf32, #tpu.memory_space<hbm>> -> memref<8x1x8x128xf32, #tpu.memory_space<hbm>>
          tpu.wait_dma2 semaphore(%arg13 : memref<!tpu.dma_semaphore, #tpu.memory_space<semaphore_mem>>) src(%arg8 : memref<8x1x8x128xf32, #tpu.memory_space<vmem>>) dst(%dma_wait3A_140 : memref<8x1x8x128xf32, #tpu.memory_space<hbm>>)
        } else {
        }
        %scan3A_75 = arith.constant 0 : i32
        %scan3A_76 = arith.constant 0 : i32
        %scan3A_77 = arith.constant 8 : i32
        %scan3A_78 = arith.addi %scan3A_76, %scan3A_77 : i32
        %scan3A_79 = arith.constant 1 : i32
        scf.for %scan3A_128 = %scan3A_76 to %scan3A_78 step %scan3A_79  : i32 {
          %mul3A_129 = arith.constant 128 : i32
          %mul3A_130 = arith.muli %add3A_65, %mul3A_129 : i32
          %mul3A_131 = arith.constant 16 : i32
          %mul3A_132 = arith.muli %mul3A_131, %scan3A_128 : i32
          %add3A_133 = arith.addi %mul3A_130, %mul3A_132 : i32
          %get3A = arith.index_cast %scan3A_51 : i32 to index
          %get3A_134 = arith.index_cast %add3A_133 : i32 to index
          %get3A_135 = tpu.vector_load %arg6[%get3A, %get3A_134] {strides = array<i32>} : memref<8x512xi32, #tpu.memory_space<vmem>>, vector<16xi32>,
          %mul3A_136 = arith.constant 65 : i32
          %mul3A_137 = vector.broadcast %mul3A_136 : i32 to vector<16xi32>
          %mul3A_138 = arith.muli %get3A_135, %mul3A_137 : vector<16xi32>
          %parallel_loop3A = arith.constant 0 : i32
          %parallel_loop3A_139 = arith.constant 64 : i32
          %parallel_loop3A_140 = arith.constant 1 : i32
          scf.for %parallel_loop3A_141 = %parallel_loop3A to %parallel_loop3A_139 step %parallel_loop3A_140  : i32 {
            %parallel_loop3A_142 = vector.broadcast %parallel_loop3A_141 : i32 to vector<16xi32>
            %parallel_loop3A_143 = arith.addi %mul3A_138, %parallel_loop3A_142 : vector<16xi32>
            %parallel_loop3A_144 = tpu.vector_load_idx %arg5[%parallel_loop3A_143] : memref<13520xf32, #tpu.memory_space<vmem>>[vector<16xi32>], vector<16xf32>,
            %parallel_loop3A_145 = arith.constant 8 : i32
            %parallel_loop3A_146 = arith.divsi %parallel_loop3A_141, %parallel_loop3A_145 : i32
            %parallel_loop3A_147 = arith.constant 0 : i32
            %parallel_loop3A_148 = arith.cmpi sgt, %parallel_loop3A_141, %parallel_loop3A_147 : i32
            %parallel_loop3A_149 = arith.extui %parallel_loop3A_148 : i1 to i32
            %parallel_loop3A_150 = arith.constant 0 : i32
            %parallel_loop3A_151 = arith.cmpi slt, %parallel_loop3A_141, %parallel_loop3A_150 : i32
            %parallel_loop3A_152 = arith.extui %parallel_loop3A_151 : i1 to i32
            %parallel_loop3A_153 = arith.subi %parallel_loop3A_149, %parallel_loop3A_152 : i32
            %parallel_loop3A_154 = arith.constant 0 : i32
            %parallel_loop3A_155 = arith.cmpi sgt, %parallel_loop3A_145, %parallel_loop3A_154 : i32
            %parallel_loop3A_156 = arith.extui %parallel_loop3A_155 : i1 to i32
            %parallel_loop3A_157 = arith.constant 0 : i32
            %parallel_loop3A_158 = arith.cmpi slt, %parallel_loop3A_145, %parallel_loop3A_157 : i32
            %parallel_loop3A_159 = arith.extui %parallel_loop3A_158 : i1 to i32
            %parallel_loop3A_160 = arith.subi %parallel_loop3A_156, %parallel_loop3A_159 : i32
            %parallel_loop3A_161 = arith.cmpi ne, %parallel_loop3A_153, %parallel_loop3A_160 : i32
            %parallel_loop3A_162 = arith.remsi %parallel_loop3A_141, %parallel_loop3A_145 : i32
            %parallel_loop3A_163 = arith.constant 0 : i32
            %parallel_loop3A_164 = arith.cmpi ne, %parallel_loop3A_162, %parallel_loop3A_163 : i32
            %parallel_loop3A_165 = arith.andi %parallel_loop3A_161, %parallel_loop3A_164 : i1
            %parallel_loop3A_166 = arith.constant 1 : i32
            %parallel_loop3A_167 = arith.subi %parallel_loop3A_146, %parallel_loop3A_166 : i32
            %parallel_loop3A_168 = arith.select %parallel_loop3A_165, %parallel_loop3A_167, %parallel_loop3A_146 : i32
            %parallel_loop3A_169 = arith.constant 8 : i32
            %parallel_loop3A_170 = arith.constant 0 : i32
            %parallel_loop3A_171 = arith.cmpi eq, %parallel_loop3A_169, %parallel_loop3A_170 : i32
            %parallel_loop3A_172 = arith.constant 1 : i32
            %parallel_loop3A_173 = arith.select %parallel_loop3A_171, %parallel_loop3A_172, %parallel_loop3A_169 : i32
            %parallel_loop3A_174 = arith.remsi %parallel_loop3A_141, %parallel_loop3A_173 : i32
            %parallel_loop3A_175 = arith.constant 0 : i32
            %parallel_loop3A_176 = arith.cmpi ne, %parallel_loop3A_174, %parallel_loop3A_175 : i32
            %parallel_loop3A_177 = arith.constant 0 : i32
            %parallel_loop3A_178 = arith.cmpi slt, %parallel_loop3A_174, %parallel_loop3A_177 : i32
            %parallel_loop3A_179 = arith.constant 0 : i32
            %parallel_loop3A_180 = arith.cmpi slt, %parallel_loop3A_173, %parallel_loop3A_179 : i32
            %parallel_loop3A_181 = arith.xori %parallel_loop3A_178, %parallel_loop3A_180 : i1
            %parallel_loop3A_182 = arith.andi %parallel_loop3A_181, %parallel_loop3A_176 : i1
            %parallel_loop3A_183 = arith.addi %parallel_loop3A_174, %parallel_loop3A_173 : i32
            %parallel_loop3A_184 = arith.select %parallel_loop3A_182, %parallel_loop3A_183, %parallel_loop3A_174 : i32
            %parallel_loop3A_185 = arith.constant 16 : i32
            %parallel_loop3A_186 = arith.muli %parallel_loop3A_185, %scan3A_128 : i32
            %parallel_loop3A_187 = arith.constant 0 : i32
            %parallel_loop3A_188 = arith.index_cast %parallel_loop3A_168 : i32 to index
            %parallel_loop3A_189 = arith.index_cast %parallel_loop3A_187 : i32 to index
            %parallel_loop3A_190 = arith.index_cast %parallel_loop3A_184 : i32 to index
            %parallel_loop3A_191 = arith.index_cast %parallel_loop3A_186 : i32 to index
            %parallel_loop3A_192 = tpu.vector_load %arg8[%parallel_loop3A_188, %parallel_loop3A_189, %parallel_loop3A_190, %parallel_loop3A_191] {strides = array<i32>} : memref<8x1x8x128xf32, #tpu.memory_space<vmem>>, vector<16xf32>,
            tpu.vector_store %arg8[%parallel_loop3A_188, %parallel_loop3A_189, %parallel_loop3A_190, %parallel_loop3A_191], %parallel_loop3A_144 {strides = array<i32>} : memref<8x1x8x128xf32, #tpu.memory_space<vmem>>, vector<16xf32>,
          } {sc.loop_unroll_factor = 16 : i64, sc.parallel_access}
        }
        %scan3A_80 = arith.constant 8 : i32
        %mul3A_81 = arith.constant 4 : i32
        %mul3A_82 = arith.muli %mul3A_81, %add3A : i32
        %add3A_83 = arith.addi %mul3A_82, %add3A_65 : i32
        %dma_start3A_84 = arith.constant 0 : i32
        %dma_start3A_85 = arith.constant 0 : i32
        %dma_start3A_86 = arith.constant 0 : i32
        %dma_start3A_87 = tpu.memref_slice %arg4[%add3A_54, %dma_start3A_84, %add3A_83, %dma_start3A_85, %dma_start3A_86] : memref<200x8x128x8x128xf32, #tpu.memory_space<hbm>> -> memref<1x8x1x8x128xf32, #tpu.memory_space<hbm>>
        %dma_start3A_88 = tpu.memref_squeeze %dma_start3A_87 : memref<1x8x1x8x128xf32, #tpu.memory_space<hbm>> -> memref<8x1x8x128xf32, #tpu.memory_space<hbm>>
        %dma_start3A_89 = arith.constant 0 : i32
        %dma_start3A_90 = arith.constant 0 : i32
        %dma_start3A_91 = arith.constant 0 : i32
        %dma_start3A_92 = tpu.memref_slice %arg4[%add3A_54, %dma_start3A_89, %add3A_83, %dma_start3A_90, %dma_start3A_91] : memref<200x8x128x8x128xf32, #tpu.memory_space<hbm>> -> memref<1x8x1x8x128xf32, #tpu.memory_space<hbm>>
        %dma_start3A_93 = tpu.memref_squeeze %dma_start3A_92 : memref<1x8x1x8x128xf32, #tpu.memory_space<hbm>> -> memref<8x1x8x128xf32, #tpu.memory_space<hbm>>
        tpu.enqueue_dma source(%arg8 : memref<8x1x8x128xf32, #tpu.memory_space<vmem>>) target(%dma_start3A_93 : memref<8x1x8x128xf32, #tpu.memory_space<hbm>>) target_semaphore(%arg13 : memref<!tpu.dma_semaphore, #tpu.memory_space<semaphore_mem>>)
        %mul3A_94 = arith.constant 2 : i32
        %mul3A_95 = arith.muli %mul3A_94, %scan3A_61 : i32
        %add3A_96 = arith.constant 1 : i32
        %add3A_97 = arith.addi %mul3A_95, %add3A_96 : i32
        %gt3A_98 = arith.constant 0 : i32
        %gt3A_99 = arith.cmpi sgt, %scan3A_19, %gt3A_98 : i32
        %gt3A_100 = arith.constant 0 : i32
        %gt3A_101 = arith.cmpi sgt, %scan3A_51, %gt3A_100 : i32
        %or3A_102 = arith.ori %gt3A_99, %gt3A_101 : i1
        %gt3A_103 = arith.constant 0 : i32
        %gt3A_104 = arith.cmpi sgt, %scan3A_61, %gt3A_103 : i32
        %or3A_105 = arith.ori %or3A_102, %gt3A_104 : i1
        %convert_element_type3A_106 = arith.extui %or3A_105 : i1 to i32
        %cond3A_107 = arith.constant 0 : i32
        %cond3A_108 = arith.cmpi ne, %convert_element_type3A_106, %cond3A_107 : i32
        scf.if %cond3A_108 {
          %dma_wait3A_128 = arith.constant 0 : i32
          %dma_wait3A_129 = arith.constant 0 : i32
          %dma_wait3A_130 = arith.constant 0 : i32
          %dma_wait3A_131 = arith.constant 0 : i32
          %dma_wait3A_132 = arith.constant 0 : i32
          %dma_wait3A_133 = tpu.memref_slice %arg4[%dma_wait3A_128, %dma_wait3A_129, %dma_wait3A_130, %dma_wait3A_131, %dma_wait3A_132] : memref<200x8x128x8x128xf32, #tpu.memory_space<hbm>> -> memref<1x8x1x8x128xf32, #tpu.memory_space<hbm>>
          %dma_wait3A_134 = tpu.memref_squeeze %dma_wait3A_133 : memref<1x8x1x8x128xf32, #tpu.memory_space<hbm>> -> memref<8x1x8x128xf32, #tpu.memory_space<hbm>>
          %dma_wait3A_135 = arith.constant 0 : i32
          %dma_wait3A_136 = arith.constant 0 : i32
          %dma_wait3A_137 = arith.constant 0 : i32
          %dma_wait3A_138 = arith.constant 0 : i32
          %dma_wait3A_139 = tpu.memref_slice %arg4[%dma_wait3A_128, %dma_wait3A_135, %dma_wait3A_136, %dma_wait3A_137, %dma_wait3A_138] : memref<200x8x128x8x128xf32, #tpu.memory_space<hbm>> -> memref<1x8x1x8x128xf32, #tpu.memory_space<hbm>>
          %dma_wait3A_140 = tpu.memref_squeeze %dma_wait3A_139 : memref<1x8x1x8x128xf32, #tpu.memory_space<hbm>> -> memref<8x1x8x128xf32, #tpu.memory_space<hbm>>
          tpu.wait_dma2 semaphore(%arg14 : memref<!tpu.dma_semaphore, #tpu.memory_space<semaphore_mem>>) src(%arg9 : memref<8x1x8x128xf32, #tpu.memory_space<vmem>>) dst(%dma_wait3A_140 : memref<8x1x8x128xf32, #tpu.memory_space<hbm>>)
        } else {
        }
        %scan3A_109 = arith.constant 0 : i32
        %scan3A_110 = arith.constant 0 : i32
        %scan3A_111 = arith.constant 8 : i32
        %scan3A_112 = arith.addi %scan3A_110, %scan3A_111 : i32
        %scan3A_113 = arith.constant 1 : i32
        scf.for %scan3A_128 = %scan3A_110 to %scan3A_112 step %scan3A_113  : i32 {
          %mul3A_129 = arith.constant 128 : i32
          %mul3A_130 = arith.muli %add3A_97, %mul3A_129 : i32
          %mul3A_131 = arith.constant 16 : i32
          %mul3A_132 = arith.muli %mul3A_131, %scan3A_128 : i32
          %add3A_133 = arith.addi %mul3A_130, %mul3A_132 : i32
          %get3A = arith.index_cast %scan3A_51 : i32 to index
          %get3A_134 = arith.index_cast %add3A_133 : i32 to index
          %get3A_135 = tpu.vector_load %arg6[%get3A, %get3A_134] {strides = array<i32>} : memref<8x512xi32, #tpu.memory_space<vmem>>, vector<16xi32>,
          %mul3A_136 = arith.constant 65 : i32
          %mul3A_137 = vector.broadcast %mul3A_136 : i32 to vector<16xi32>
          %mul3A_138 = arith.muli %get3A_135, %mul3A_137 : vector<16xi32>
          %parallel_loop3A = arith.constant 0 : i32
          %parallel_loop3A_139 = arith.constant 64 : i32
          %parallel_loop3A_140 = arith.constant 1 : i32
          scf.for %parallel_loop3A_141 = %parallel_loop3A to %parallel_loop3A_139 step %parallel_loop3A_140  : i32 {
            %parallel_loop3A_142 = vector.broadcast %parallel_loop3A_141 : i32 to vector<16xi32>
            %parallel_loop3A_143 = arith.addi %mul3A_138, %parallel_loop3A_142 : vector<16xi32>
            %parallel_loop3A_144 = tpu.vector_load_idx %arg5[%parallel_loop3A_143] : memref<13520xf32, #tpu.memory_space<vmem>>[vector<16xi32>], vector<16xf32>,
            %parallel_loop3A_145 = arith.constant 8 : i32
            %parallel_loop3A_146 = arith.divsi %parallel_loop3A_141, %parallel_loop3A_145 : i32
            %parallel_loop3A_147 = arith.constant 0 : i32
            %parallel_loop3A_148 = arith.cmpi sgt, %parallel_loop3A_141, %parallel_loop3A_147 : i32
            %parallel_loop3A_149 = arith.extui %parallel_loop3A_148 : i1 to i32
            %parallel_loop3A_150 = arith.constant 0 : i32
            %parallel_loop3A_151 = arith.cmpi slt, %parallel_loop3A_141, %parallel_loop3A_150 : i32
            %parallel_loop3A_152 = arith.extui %parallel_loop3A_151 : i1 to i32
            %parallel_loop3A_153 = arith.subi %parallel_loop3A_149, %parallel_loop3A_152 : i32
            %parallel_loop3A_154 = arith.constant 0 : i32
            %parallel_loop3A_155 = arith.cmpi sgt, %parallel_loop3A_145, %parallel_loop3A_154 : i32
            %parallel_loop3A_156 = arith.extui %parallel_loop3A_155 : i1 to i32
            %parallel_loop3A_157 = arith.constant 0 : i32
            %parallel_loop3A_158 = arith.cmpi slt, %parallel_loop3A_145, %parallel_loop3A_157 : i32
            %parallel_loop3A_159 = arith.extui %parallel_loop3A_158 : i1 to i32
            %parallel_loop3A_160 = arith.subi %parallel_loop3A_156, %parallel_loop3A_159 : i32
            %parallel_loop3A_161 = arith.cmpi ne, %parallel_loop3A_153, %parallel_loop3A_160 : i32
            %parallel_loop3A_162 = arith.remsi %parallel_loop3A_141, %parallel_loop3A_145 : i32
            %parallel_loop3A_163 = arith.constant 0 : i32
            %parallel_loop3A_164 = arith.cmpi ne, %parallel_loop3A_162, %parallel_loop3A_163 : i32
            %parallel_loop3A_165 = arith.andi %parallel_loop3A_161, %parallel_loop3A_164 : i1
            %parallel_loop3A_166 = arith.constant 1 : i32
            %parallel_loop3A_167 = arith.subi %parallel_loop3A_146, %parallel_loop3A_166 : i32
            %parallel_loop3A_168 = arith.select %parallel_loop3A_165, %parallel_loop3A_167, %parallel_loop3A_146 : i32
            %parallel_loop3A_169 = arith.constant 8 : i32
            %parallel_loop3A_170 = arith.constant 0 : i32
            %parallel_loop3A_171 = arith.cmpi eq, %parallel_loop3A_169, %parallel_loop3A_170 : i32
            %parallel_loop3A_172 = arith.constant 1 : i32
            %parallel_loop3A_173 = arith.select %parallel_loop3A_171, %parallel_loop3A_172, %parallel_loop3A_169 : i32
            %parallel_loop3A_174 = arith.remsi %parallel_loop3A_141, %parallel_loop3A_173 : i32
            %parallel_loop3A_175 = arith.constant 0 : i32
            %parallel_loop3A_176 = arith.cmpi ne, %parallel_loop3A_174, %parallel_loop3A_175 : i32
            %parallel_loop3A_177 = arith.constant 0 : i32
            %parallel_loop3A_178 = arith.cmpi slt, %parallel_loop3A_174, %parallel_loop3A_177 : i32
            %parallel_loop3A_179 = arith.constant 0 : i32
            %parallel_loop3A_180 = arith.cmpi slt, %parallel_loop3A_173, %parallel_loop3A_179 : i32
            %parallel_loop3A_181 = arith.xori %parallel_loop3A_178, %parallel_loop3A_180 : i1
            %parallel_loop3A_182 = arith.andi %parallel_loop3A_181, %parallel_loop3A_176 : i1
            %parallel_loop3A_183 = arith.addi %parallel_loop3A_174, %parallel_loop3A_173 : i32
            %parallel_loop3A_184 = arith.select %parallel_loop3A_182, %parallel_loop3A_183, %parallel_loop3A_174 : i32
            %parallel_loop3A_185 = arith.constant 16 : i32
            %parallel_loop3A_186 = arith.muli %parallel_loop3A_185, %scan3A_128 : i32
            %parallel_loop3A_187 = arith.constant 0 : i32
            %parallel_loop3A_188 = arith.index_cast %parallel_loop3A_168 : i32 to index
            %parallel_loop3A_189 = arith.index_cast %parallel_loop3A_187 : i32 to index
            %parallel_loop3A_190 = arith.index_cast %parallel_loop3A_184 : i32 to index
            %parallel_loop3A_191 = arith.index_cast %parallel_loop3A_186 : i32 to index
            %parallel_loop3A_192 = tpu.vector_load %arg9[%parallel_loop3A_188, %parallel_loop3A_189, %parallel_loop3A_190, %parallel_loop3A_191] {strides = array<i32>} : memref<8x1x8x128xf32, #tpu.memory_space<vmem>>, vector<16xf32>,
            tpu.vector_store %arg9[%parallel_loop3A_188, %parallel_loop3A_189, %parallel_loop3A_190, %parallel_loop3A_191], %parallel_loop3A_144 {strides = array<i32>} : memref<8x1x8x128xf32, #tpu.memory_space<vmem>>, vector<16xf32>,
          } {sc.loop_unroll_factor = 16 : i64, sc.parallel_access}
        }
        %scan3A_114 = arith.constant 8 : i32
        %mul3A_115 = arith.constant 4 : i32
        %mul3A_116 = arith.muli %mul3A_115, %add3A : i32
        %add3A_117 = arith.addi %mul3A_116, %add3A_97 : i32
        %dma_start3A_118 = arith.constant 0 : i32
        %dma_start3A_119 = arith.constant 0 : i32
        %dma_start3A_120 = arith.constant 0 : i32
        %dma_start3A_121 = tpu.memref_slice %arg4[%add3A_54, %dma_start3A_118, %add3A_117, %dma_start3A_119, %dma_start3A_120] : memref<200x8x128x8x128xf32, #tpu.memory_space<hbm>> -> memref<1x8x1x8x128xf32, #tpu.memory_space<hbm>>
        %dma_start3A_122 = tpu.memref_squeeze %dma_start3A_121 : memref<1x8x1x8x128xf32, #tpu.memory_space<hbm>> -> memref<8x1x8x128xf32, #tpu.memory_space<hbm>>
        %dma_start3A_123 = arith.constant 0 : i32
        %dma_start3A_124 = arith.constant 0 : i32
        %dma_start3A_125 = arith.constant 0 : i32
        %dma_start3A_126 = tpu.memref_slice %arg4[%add3A_54, %dma_start3A_123, %add3A_117, %dma_start3A_124, %dma_start3A_125] : memref<200x8x128x8x128xf32, #tpu.memory_space<hbm>> -> memref<1x8x1x8x128xf32, #tpu.memory_space<hbm>>
        %dma_start3A_127 = tpu.memref_squeeze %dma_start3A_126 : memref<1x8x1x8x128xf32, #tpu.memory_space<hbm>> -> memref<8x1x8x128xf32, #tpu.memory_space<hbm>>
        tpu.enqueue_dma source(%arg9 : memref<8x1x8x128xf32, #tpu.memory_space<vmem>>) target(%dma_start3A_127 : memref<8x1x8x128xf32, #tpu.memory_space<hbm>>) target_semaphore(%arg14 : memref<!tpu.dma_semaphore, #tpu.memory_space<semaphore_mem>>)
      }
      %scan3A_60 = arith.constant 2 : i32
    }
    %scan3A_24 = arith.constant 8 : i32
    %dma_wait3A_25 = arith.constant 0 : i32
    %dma_wait3A_26 = arith.constant 0 : i32
    %dma_wait3A_27 = arith.constant 0 : i32
    %dma_wait3A_28 = arith.constant 0 : i32
    %dma_wait3A_29 = arith.constant 0 : i32
    %dma_wait3A_30 = tpu.memref_slice %arg4[%dma_wait3A_25, %dma_wait3A_26, %dma_wait3A_27, %dma_wait3A_28, %dma_wait3A_29] : memref<200x8x128x8x128xf32, #tpu.memory_space<hbm>> -> memref<1x8x1x8x128xf32, #tpu.memory_space<hbm>>
    %dma_wait3A_31 = tpu.memref_squeeze %dma_wait3A_30 : memref<1x8x1x8x128xf32, #tpu.memory_space<hbm>> -> memref<8x1x8x128xf32, #tpu.memory_space<hbm>>
    %dma_wait3A_32 = arith.constant 0 : i32
    %dma_wait3A_33 = arith.constant 0 : i32
    %dma_wait3A_34 = arith.constant 0 : i32
    %dma_wait3A_35 = arith.constant 0 : i32
    %dma_wait3A_36 = tpu.memref_slice %arg4[%dma_wait3A_25, %dma_wait3A_32, %dma_wait3A_33, %dma_wait3A_34, %dma_wait3A_35] : memref<200x8x128x8x128xf32, #tpu.memory_space<hbm>> -> memref<1x8x1x8x128xf32, #tpu.memory_space<hbm>>
    %dma_wait3A_37 = tpu.memref_squeeze %dma_wait3A_36 : memref<1x8x1x8x128xf32, #tpu.memory_space<hbm>> -> memref<8x1x8x128xf32, #tpu.memory_space<hbm>>
    tpu.wait_dma2 semaphore(%arg13 : memref<!tpu.dma_semaphore, #tpu.memory_space<semaphore_mem>>) src(%arg8 : memref<8x1x8x128xf32, #tpu.memory_space<vmem>>) dst(%dma_wait3A_37 : memref<8x1x8x128xf32, #tpu.memory_space<hbm>>)
    %dma_wait3A_38 = arith.constant 0 : i32
    %dma_wait3A_39 = arith.constant 0 : i32
    %dma_wait3A_40 = arith.constant 0 : i32
    %dma_wait3A_41 = arith.constant 0 : i32
    %dma_wait3A_42 = arith.constant 0 : i32
    %dma_wait3A_43 = tpu.memref_slice %arg4[%dma_wait3A_38, %dma_wait3A_39, %dma_wait3A_40, %dma_wait3A_41, %dma_wait3A_42] : memref<200x8x128x8x128xf32, #tpu.memory_space<hbm>> -> memref<1x8x1x8x128xf32, #tpu.memory_space<hbm>>
    %dma_wait3A_44 = tpu.memref_squeeze %dma_wait3A_43 : memref<1x8x1x8x128xf32, #tpu.memory_space<hbm>> -> memref<8x1x8x128xf32, #tpu.memory_space<hbm>>
    %dma_wait3A_45 = arith.constant 0 : i32
    %dma_wait3A_46 = arith.constant 0 : i32
    %dma_wait3A_47 = arith.constant 0 : i32
    %dma_wait3A_48 = arith.constant 0 : i32
    %dma_wait3A_49 = tpu.memref_slice %arg4[%dma_wait3A_38, %dma_wait3A_45, %dma_wait3A_46, %dma_wait3A_47, %dma_wait3A_48] : memref<200x8x128x8x128xf32, #tpu.memory_space<hbm>> -> memref<1x8x1x8x128xf32, #tpu.memory_space<hbm>>
    %dma_wait3A_50 = tpu.memref_squeeze %dma_wait3A_49 : memref<1x8x1x8x128xf32, #tpu.memory_space<hbm>> -> memref<8x1x8x128xf32, #tpu.memory_space<hbm>>
    tpu.wait_dma2 semaphore(%arg14 : memref<!tpu.dma_semaphore, #tpu.memory_space<semaphore_mem>>) src(%arg9 : memref<8x1x8x128xf32, #tpu.memory_space<vmem>>) dst(%dma_wait3A_50 : memref<8x1x8x128xf32, #tpu.memory_space<hbm>>)
    return
  }
}

</mosaic_0001>

<sc_bundles>
// kernel: kernel.3.cloned.1.call-start
scs
__scs_entry_jumppad:
0x0: {  	(pc) =	sbr.rel $0x88, $3  }
0x1: {  	(tag) =	ssettag $0x0;
	lr =	simm.s32 $0x1  }
0x2: {  	[smem:$0x3F9F] =	sst lr;
	_ =	strace $0xD0000000  }
0x3: {  	_ = 	snop  }
0x4: {  	_ = 	snop  }
0x5: {  	_ = 	snop  }
0x6: {  	_ = 	snop  }
0x7: {  	_ = 	snop  }
__scs_overlays_trampoline_lowered:
0x8: {  	[smem:$0x3FAE] =	sst s0  }
0x9: {  	[smem:$0x3FAF] =	sst s1  }
0xa: {  	[smem:$0x3FB0] =	sst s2  }
0xb: {  	[smem:$0x3FB1] =	sst s3  }
0xc: {  	[smem:$0x3FB2] =	sst s4  }
0xd: {  	[smem:$0x3FB3] =	sst s5  }
0xe: {  	[smem:$0x3FB4] =	sst s6  }
0xf: {  	[smem:$0x3FB5] =	sst s7  }
0x10: {  	[smem:$0x3FB6] =	sst s8  }
0x11: {  	[smem:$0x3FB7] =	sst s9;
	s0 =	simm.s32 @!p0 $0x0  }
0x12: {  	s1 =	sld [smem:$0x3F9D];
	s0 =	simm.s32 @p0 $0x1  }
0x13: {  	[smem:$0x3FB8] =	sst s0;
	s0 =	simm.s32 @!p1 $0x0  }
0x14: {  	s2 =	sld [smem:$0x3F9C];
	s0 =	simm.s32 @p1 $0x1  }
0x15: {  	[smem:$0x3FB9] =	sst s0;
	s0 =	simm.s32 @!p2 $0x0  }
0x16: {  	s3 =	sld [smem:$0x3FDB];
	s0 =	simm.s32 @p2 $0x1  }
0x17: {  	s4 =	simm.s32 $0x1BF5;
	[smem:$0x3FBB] =	sst s0  }
0x18: {  	s0 =	sld [smem:$0x3F9E];
	_ =	swait.ge [sflag:s4], $0x0  }
0x19: {  	s7 =	sld [smem:$0x3F9F]  }
0x1a: {  	s8 =	sadd.s32 $0xFFFFE003, lr  }
0x1b: {  	s9 =	sadd.s32 $0xFFFFFEF7, lr;
	s5 =	simm.s32 $0xFFFFFFFF;
	p2 =	slt.u32 s8, $0xFFFFF086  }
0x1c: {  	p1 =	slt.u32 s9, $0xF7A;
	s5 =	simm.s32 @!p2 $0x0  }
0x1d: {  	s5 =	simm.s32 @p1 $0x1;
	p0 =	seq.s32 s7, s2  }
0x1e: {  	s7 =	smul.u32 @!p0 $0xF7A, s2;
	p2 =	seq.s32 @!p0 s5, $0x0  }
0x1f: {  	s9 =	smul.u32 $0xF7A, s1;
	s8 =	simm.s32 @!p0 $0x1BF5;
	p2 =	por !p2, p0  }
0x20: {  	[sflag:s8] =	ssyncset.s32 @!p0 $0xFFFFF086;
	s6 =	sadd.s32 @!p0 s3, s7;
	s7 =	simm.s32 @!p0 $0x108  }
0x21: {  	s3 =	sadd.s32 s3, s9;
	s6 =	sadd.s32 @!p0 $0x88, s6;
	s7 =	simm.s32 @p2 $0x1082  }
0x22: {  	[simem:s7], [sflag:s8] =	dma.local @!p0 [hbm:s6], $0xF7A  }
0x23: {  	s9 =	sor.u32 $0xD0000000, s2;
	s6 =	simm.s32 $0x108;
	_ =	swait.ge @!p0 [sflag:s8], $0x0  }
0x24: {  	s3 =	sadd.s32 $0x88, s3;
	s6 =	simm.s32 @!p1 $0x1082;
	[sflag:s4] =	ssyncset.s32 $0xFFFFF086  }
0x25: {  	[simem:s6], [sflag:s4] =	dma.local [hbm:s3], $0xF7A  }
0x26: {  	[smem:$0x3F9F] =	sst s1;
	(tag) =	ssettag s2;
	_ =	strace s9  }
0x27: {  	s1 =	sld [smem:$0x3FAF]  }
0x28: {  	s2 =	sld [smem:$0x3FB0]  }
0x29: {  	s4 =	sld [smem:$0x3FB2]  }
0x2a: {  	p0 =	seq.s32 s5, $0x0;
	s5 =	sld [smem:$0x3FB3]  }
0x2b: {  	s6 =	sld [smem:$0x3FB4]  }
0x2c: {  	s7 =	sld [smem:$0x3FB5]  }
0x2d: {  	s3 =	simm.s32 $0x108;
	s8 =	sld [smem:$0x3FB6]  }
0x2e: {  	s3 =	simm.s32 @!p0 $0x1082;
	s9 =	sld [smem:$0x3FB7]  }
0x2f: {  	lr =	sadd.s32 s0, s3;
	s0 =	sld [smem:$0x3FAE]  }
0x30: {  	s3 =	sld [smem:$0x3FB1]  }
0x31: {  	[smem:$0x3FBA] =	sst s10  }
0x32: {  	s10 =	sld [smem:$0x3FB8];
	_ =	sdelay $0x3  }
0x33: {  	p0 =	seq.s32 s10, $0x1;
	s10 =	sld [smem:$0x3FBA];
	_ =	sdelay $0x3  }
0x34: {  	[smem:$0x3FBA] =	sst s10  }
0x35: {  	s10 =	sld [smem:$0x3FB9];
	_ =	sdelay $0x3  }
0x36: {  	p1 =	seq.s32 s10, $0x1;
	s10 =	sld [smem:$0x3FBA];
	_ =	sdelay $0x3  }
0x37: {  	[smem:$0x3FBA] =	sst s10  }
0x38: {  	s10 =	sld [smem:$0x3FBB]  }
0x39: {  	_ = 	snop;
	(pc) =	sbr.ind lr, $3  }
0x3a: {  	_ = 	snop  }
0x3b: {  	_ = 	snop  }
0x3c: {  	p2 =	seq.s32 s10, $0x1;
	s10 =	sld [smem:$0x3FBA]  }
0x3d: {  	_ =	shalt  }
0x3e: {  	_ =	shalt  }
0x3f: {  	_ =	shalt  }
0x40: {  	_ =	shalt  }
0x41: {  	_ =	shalt  }
0x42: {  	_ =	shalt  }
0x43: {  	_ =	shalt  }
0x44: {  	_ =	shalt  }
0x45: {  	_ =	shalt  }
0x46: {  	_ =	shalt  }
0x47: {  	_ =	shalt  }
0x48: {  	_ =	shalt  }
0x49: {  	_ =	shalt  }
0x4a: {  	_ =	shalt  }
0x4b: {  	_ =	shalt  }
0x4c: {  	_ =	shalt  }
0x4d: {  	_ =	shalt  }
0x4e: {  	_ =	shalt  }
0x4f: {  	_ =	shalt  }
0x50: {  	_ =	shalt  }
0x51: {  	_ =	shalt  }
0x52: {  	_ =	shalt  }
0x53: {  	_ =	shalt  }
0x54: {  	_ =	shalt  }
0x55: {  	_ =	shalt  }
0x56: {  	_ =	shalt  }
0x57: {  	_ =	shalt  }
0x58: {  	_ =	shalt  }
0x59: {  	_ =	shalt  }
0x5a: {  	_ =	shalt  }
0x5b: {  	_ =	shalt  }
0x5c: {  	_ =	shalt  }
0x5d: {  	_ =	shalt  }
0x5e: {  	_ =	shalt  }
0x5f: {  	_ =	shalt  }
0x60: {  	_ =	shalt  }
0x61: {  	_ =	shalt  }
0x62: {  	_ =	shalt  }
0x63: {  	_ =	shalt  }
0x64: {  	_ =	shalt  }
0x65: {  	_ =	shalt  }
0x66: {  	_ =	shalt  }
0x67: {  	_ =	shalt  }
0x68: {  	_ =	shalt  }
0x69: {  	_ =	shalt  }
0x6a: {  	_ =	shalt  }
0x6b: {  	_ =	shalt  }
0x6c: {  	_ =	shalt  }
0x6d: {  	_ =	shalt  }
0x6e: {  	_ =	shalt  }
0x6f: {  	_ =	shalt  }
0x70: {  	_ =	shalt  }
0x71: {  	_ =	shalt  }
0x72: {  	_ =	shalt  }
0x73: {  	_ =	shalt  }
0x74: {  	_ =	shalt  }
0x75: {  	_ =	shalt  }
0x76: {  	_ =	shalt  }
0x77: {  	_ =	shalt  }
0x78: {  	_ =	shalt  }
0x79: {  	_ =	shalt  }
0x7a: {  	_ =	shalt  }
0x7b: {  	_ =	shalt  }
0x7c: {  	_ =	shalt  }
0x7d: {  	_ =	shalt  }
0x7e: {  	_ =	shalt  }
0x7f: {  	_ =	shalt  }
0x80: {  	_ =	shalt  }
0x81: {  	_ =	shalt  }
0x82: {  	_ =	shalt  }
0x83: {  	_ =	shalt  }
0x84: {  	_ =	shalt  }
0x85: {  	_ =	shalt  }
0x86: {  	_ =	shalt  }
0x87: {  	_ =	shalt  }
.Lfunc_end0:
.L_simem_size_0:
called_computation_lowered:
.L_overlay_start_0:
0x88: {  	s2 =	sld [smem:$0x3FD9]  }
0x89: {  	s3 =	sld [smem:$0x3FFE];
	_ =	sdelay $0x1  }
0x8a: {  	s1 =	srdreg.scid  }
0x8b: {  	s0 =	sand.u32 $0x1, s1  }
0x8c: {  	s17 =	sshll.u32 s0, $0xA;
	s2 =	sadd.s32 s3, s2  }
0x8d: {  	s2 =	sadd.s32 s2, s17  }
0x8e: {  	[smem:$0x3FC6] =	sst s2  }
0x8f: {  	_ = 	snop  }
0x90: {  	s2 =	sld [smem:$0x3FC9]  }
0x91: {  	s18 =	sld [smem:$0x3FD0];
	(tm) =	ssettm $0x1  }
0x92: {  	s4 =	sld [smem:$0x3FFB];
	_ =	sdelay $0x3  }
0x93: {  	_ =	strace s4  }
0x94: {  	s4 =	sld [smem:$0x3FFC];
	_ =	sdelay $0x3  }
0x95: {  	_ =	strace s4  }
0x96: {  	s4 =	sld [smem:$0x3FFD];
	_ =	sdelay $0x3  }
0x97: {  	_ =	strace s4  }
0x98: {  	_ =	strace $0x8FFFFFFF  }
0x99: {  	s19 =	sld [smem:$0x3FDB];
	_ =	sdelay $0x1  }
0x9a: {  	s5 =	simm.s32 $_scs_section_size  }
0x9b: {  	s6 =	simm.s32 $_size__tile_overlayer_lowered;
	s7 =	simm.s32 $_tile_overlayer_lowered  }
0x9c: {  	s22 =	simm.s32 $0x1BFF;
	s21 =	sshll.u32 s7, $0x1;
	s4 =	sadd.s32 s5, s19  }
0x9d: {  	s8 =	simm.s32 $0x0;
	s20 =	sshll.u32 s6, $0x1;
	s6 =	sadd.s32 s21, s4  }
0x9e: {  	[timem:s8], [sflag:s22] =	dma.local [hbm:s6], s20  }
0x9f: {  	_ =	swait.ge [sflag:s22], s20  }
0xa0: {  	s5 =	ssub.s32 $0x0, s20;
	[sflag:s22] =	ssyncset.done $0x0  }
0xa1: {  	[sflag:s22] =	ssyncadd.s32 s5;
	_ =	sdelay $0x1  }
0xa2: {  	s23 =	simm.s32 $0x1B8B  }
0xa3: {  	_ =	swait.ge [sflag:s23], $0x1  }
0xa4: {  	[sflag:s23] =	ssyncset.done $0x0  }
0xa5: {  	s25 =	simm.s32 $0x1B8E;
	s24 =	sld [smem:$0x3FFE];
	[sflag:s23] =	ssyncadd.s32 $0xFFFFFFFF  }
0xa6: {  	s26 =	simm.s32 $execute0_lowered;
	[smem:$0x3FD2] =	sst s25  }
0xa7: {  	s6 =	sshll.u32 s26, $0x1;
	_ =	strace $0x80000046;
	[dreg:$0x1] =	wrdreg $0xFFFFFFFF  }
0xa8: {  	s28 =	simm.s32 $_size_execute0_lowered;
	s4 =	sadd.s32 s4, s6;
	[dreg:$0x0] =	wrdreg $0x0  }
0xa9: {  	s6 =	sshll.u32 s28, $0x1;
	[dreg:$0x2] =	wrdreg s4  }
0xaa: {  	[dreg:$0x3] =	wrdreg s6  }
0xab: {  	[dreg:$0x4] =	wrdreg $0xC0  }
0xac: {  	_ =	task [dreg:s8], $0x5FFFF  }
0xad: {  	[dreg:$0x1] =	wrdreg $0xFFFFFFFF  }
0xae: {  	[dreg:$0x0] =	wrdreg $0x60  }
0xaf: {  	[dreg:$0x2] =	wrdreg s24  }
0xb0: {  	[dreg:$0x3] =	wrdreg s2  }
0xb1: {  	[dreg:$0x4] =	wrdreg s18  }
0xb2: {  	[dreg:$0x5] =	wrdreg $0x9  }
0xb3: {  	_ =	task.clear_ibuf [dreg:s8], $0x6FFFF;
	_ =	strace $0x90000046  }
0xb4: {  	s29 =	simm.s32 $0x9;
	_ =	strace $0x80000048  }
0xb5: {  	_ =	swait.ge [sflag:s29], $0x1  }
0xb6: {  	[sflag:s29] =	ssyncadd.s32 $0xFFFFFFFF  }
0xb7: {  	_ =	strace $0x90000048  }
0xb8: {  	_ =	sfence  }
0xb9: {  	s30 =	sld [smem:$0x0];
	_ =	sdelay $0x2  }
0xba: {  	s31 =	sshll.u32 s1, $0xD;
	s1 =	sshrl.u32 s1, $0x2  }
0xbb: {  	s3 =	sand.u32 $0x4000, s31;
	s1 =	sadd.s32 s1, s30  }
0xbc: {  	s0 =	sor.u32 s3, s0;
	s1 =	sshll.u32 s1, $0x11  }
0xbd: {  	s0 =	sor.u32 s1, s0  }
0xbe: {  	s0 =	sadd.s32 $0x8F2B, s0  }
0xbf: {  	[sflag:s0] =	ssyncadd.remote.s32 $0x1  }
0xc0: {  	_ =	sfence.sel $0xFFFF  }
0xc1: {  	[dreg:$0x0] =	wrdreg $0xFFFFFFFF;
	(pc) =	sbr.abs _section_cstart, $3  }
0xc2: {  	[dreg:$0x1] =	wrdreg $0xFFFFFFFF  }
0xc3: {  	_ =	task.clear_ibuf [dreg:s8], $0x2FFFF;
	_ =	strace $0x9FFFFFFF  }
0xc4: {  	(tm) =	ssettm $0x7FFFFFFF  }
0xc5: {  	_ =	shalt  }
tec
execute0_lowered:
.L_overlay_start_1:
0x0: {  	(tag) =	ssettag $0x1  }
0x1: {  	s0 =	rddreg [dreg:$0x0]  }
0x2: {  	s1 =	rddreg [dreg:$0x1]  }
0x3: {  	s2 =	rddreg [dreg:$0x2]  }
0x4: {  	s4 =	simm.s32 $0x0;
	s3 =	srdreg.scid;
	s5 =	stileid.u32  }
0x5: {  	s12 =	simm.s32 $0x3500;
	s14 =	simm.s32 $0x2;
	s16 =	simm.s32 $0x400  }
0x6: {  	s17 =	simm.s32 $0x20000;
	s18 =	simm.s32 $0x5500;
	s19 =	simm.s32 $0x7500  }
0x7: {  	s20 =	simm.s32 $0x3;
	s21 =	simm.s32 $0x4;
	s22 =	simm.s32 $0x5  }
0x8: {  	[smem:$0x7FF] =	sst s4;
	s3 =	sand.u32 $0x1, s3;
	s5 =	sshll.u32 s5, $0x1  }
0x9: {  	s0 =	sadd.s32 $0x400, s0;
	s15 =	smov.u32 s1;
	s9 =	sadd.s32 $0x4000, s1  }
0xa: {  	_ =	strace $0x80000047;
	s29 =	ssub.s32 $0x2, s3;
	s3 =	sor.u32 s3, s5  }
0xb: {  	[dreg:$0x4] =	wrdreg s0;
	s30 =	sshrl.u32 s29, $0x1;
	s7 =	sshll.u32 s3, $0x9  }
0xc: {  	s6 =	sshll.u32 s3, $0xC;
	s0 =	ssub.s32 s29, s30;
	s31 =	sadd.s32 s1, s7  }
0xd: {  	s10 =	sshll.u32 s3, $0x2;
	[dreg:$0x5] =	wrdreg s31;
	s0 =	smax.u32 s0, $0x1  }
0xe: {  	s8 =	sor.u32 $0x40000, s6;
	s1 =	simm.s32 $0x0;
	[dreg:$0x6] =	wrdreg s0  }
.LBB2_1:
0xf: {  	[dreg:$0x7] =	wrdreg s1  }
0x10: {  	s0 =	rddreg [dreg:$0x4]  }
0x11: {  	[tilespmem:s4], [sflag:$0x1] =	stream.linear.gather [hbm4b:s0+s4], $0x3500, $0x38;
	[tilespmem:$0x9500] =	vst v63  }
0x12: {  	s30 =	rddreg [dreg:$0x5];
	s31 =	simm.s32 $0x1  }
0x13: {  	[tilespmem:s12], [sflag:$0x2] =	stream.linear.gather [hbm4b:s30+s4], $0x1000, $0x38;
	[tilespmem:$0x9500] =	vst v63  }
0x14: {  	_ =	swait.ge [sflag:s31], $0x3500  }
0x15: {  	[sflag:s31] =	ssyncset.done $0x0  }
0x16: {  	s24 =	simm.s32 $0x0;
	[sflag:s31] =	ssyncadd.s32 $0xFFFFCB00  }
.LBB2_2:
0x17: {  	s25 =	sshll.u32 s24, $0x12  }
0x18: {  	_ =	swait.ge [sflag:s14], $0x1000;
	s28 =	simm.s32 $0x0;
	s0 =	sor.u32 s6, s25  }
0x19: {  	s1 =	simm.s32 $0x4500;
	[sflag:s14] =	ssyncset.done $0x0;
	s0 =	sshrl.u32 s0, $0x3  }
0x1a: {  	s26 =	sshll.u32 s24, $0x18;
	[sflag:s14] =	ssyncadd.s32 $0xFFFFF000;
	s0 =	sadd.s32 s0, s9  }
0x1b: {  	[tilespmem:s1], [sflag:$0x3] =	stream.linear.gather [hbm4b:s0+s28], $0x1000, $0x38;
	[tilespmem:$0x9500] =	vst v63  }
.LBB2_3:
0x1c: {  	s0 =	sshll.u32 s28, $0x7;
	s3 =	sor.u32 s24, s28;
	s31 =	sshll.u32 s28, $0x14  }
0x1d: {  	p2 =	por $0x1, $0x1;
	s0 =	sand.u32 $0x3FFFFF80, s0;
	p1 =	sne.s32 s3, $0x0  }
0x1e: {  	s30 =	sadd.s32 s26, s31;
	s29 =	sadd.s32 $0x3500, s0;
	s0 =	simm.s32 $0x0  }
.LBB2_4:
0x1f: {  	s3 =	simm.s32 @p1 $0x4;
	s5 =	sshll.u32 s0, $0xB;
	s31 =	sshll.u32 s0, $0x1  }
0x20: {  	p0 =	por p2, p2;
	_ =	swait.ge @p1 [sflag:s3], $0x2000;
	s5 =	sand.u32 $0x3FFFF800, s5  }
0x21: {  	s0 =	simm.s32 $0x0;
	[sflag:s3] =	ssyncset.done @p1 $0x0;
	s23 =	sadd.s32 s5, s29  }
0x22: {  	s11 =	simm.s32 $0x5900;
	s5 =	simm.s32 $0x0;
	[sflag:s3] =	ssyncadd.s32 @p1 $0xFFFFE000;
	v0 =	vmov s23  }
.LBB2_5:
0x23: {  	_ =	sdelay $0x2  }
0x24: {  	s3 =	sshll.u32 s5, $0x4  }
0x25: {  	v1 =	vld.idx.msk [tilespmem:v0+s3+$0x0 ss:$0x1], $0xffff;
	_ =	sdelay $0x4  }
0x26: {  	v1 =	vmul.u32 $0x41, v1  }
0x27: {  	s13 =	simm.s32 $0xF  }
0x28: {  	s7 =	simm.s32 $0x1;
	v2 =	vadd.s32 s13, v1  }
0x29: {  	s23 =	simm.s32 $0x2;
	v3 =	vadd.s32 s7, v1  }
0x2a: {  	s1 =	simm.s32 $0x3;
	v4 =	vadd.s32 s23, v1  }
0x2b: {  	v5 =	vadd.s32 s1, v1;
	s7 =	simm.s32 $0x4  }
0x2c: {  	s13 =	simm.s32 $0x5;
	v6 =	vadd.s32 s7, v1  }
0x2d: {  	s23 =	simm.s32 $0x6;
	v7 =	vadd.s32 s13, v1;
	v8 =	vld.idx.msk [tilespmem:v2+s4+$0x0], $0xffff  }
0x2e: {  	s1 =	simm.s32 $0x7;
	v9 =	vld.idx.msk [tilespmem:v3+s4+$0x0], $0xffff;
	v2 =	vadd.s32 s23, v1  }
0x2f: {  	s7 =	simm.s32 $0x8;
	v11 =	vld.idx.msk [tilespmem:v4+s4+$0x0], $0xffff;
	v4 =	vadd.s32 s1, v1  }
0x30: {  	s13 =	simm.s32 $0x9;
	v13 =	vld.idx.msk [tilespmem:v5+s4+$0x0], $0xffff;
	v5 =	vadd.s32 s7, v1  }
0x31: {  	s23 =	simm.s32 $0xA;
	v14 =	vld.idx.msk [tilespmem:v6+s4+$0x0], $0xffff;
	v6 =	vadd.s32 s13, v1  }
0x32: {  	s1 =	simm.s32 $0xB;
	v3 =	vld.idx.msk [tilespmem:v7+s4+$0x0], $0xffff;
	v7 =	vadd.s32 s23, v1  }
0x33: {  	s7 =	simm.s32 $0xC;
	v10 =	vadd.s32 s1, v1;
	v2 =	vld.idx.msk [tilespmem:v2+s4+$0x0], $0xffff;
	[tilespmem:s11+$0x380] =	vst v8  }
0x34: {  	s13 =	simm.s32 $0xD;
	v12 =	vadd.s32 s7, v1;
	[tilespmem:s11+$0xFFFFFC80] =	vst v9;
	v4 =	vld.idx.msk [tilespmem:v4+s4+$0x0], $0xffff  }
0x35: {  	s23 =	simm.s32 $0xE;
	[tilespmem:s11+$0xFFFFFD00] =	vst v11;
	v5 =	vld.idx.msk [tilespmem:v5+s4+$0x0], $0xffff;
	v9 =	vadd.s32 s13, v1  }
0x36: {  	s3 =	smov.u32 s11;
	[tilespmem:s11+$0xFFFFFD80] =	vst v13;
	v11 =	vadd.s32 s23, v1;
	v6 =	vld.idx.msk [tilespmem:v6+s4+$0x0], $0xffff  }
0x37: {  	s7 =	simm.s32 $0x10;
	s23 =	simm.s32 $0x1F;
	s13 =	simm.s32 $0x20;
	v8 =	vadd.s32 s0, v1;
	[tilespmem:s11+$0xFFFFFE00] =	vst v14;
	v7 =	vld.idx.msk [tilespmem:v7+s4+$0x0], $0xffff  }
.LBB2_6:
0x38: {  	p2 =	slt.u32 s13, $0x30;
	s1 =	sadd.s32 $0x1, s7;
	v13 =	vadd.s32 s23, v1;
	[tilespmem:s3+$0xFFFFFE80] =	vst v3;
	v3 =	vld.idx.msk [tilespmem:v10+s4+$0x0], $0xffff  }
0x39: {  	v10 =	vadd.s32 s1, v1;
	s1 =	sadd.s32 $0x2, s7;
	[tilespmem:s3+$0xFFFFFF00] =	vst v2;
	v2 =	vld.idx.msk [tilespmem:v12+s4+$0x0], $0xffff  }
0x3a: {  	v12 =	vadd.s32 s1, v1;
	s1 =	sadd.s32 $0x3, s7;
	[tilespmem:s3+$0xFFFFFF80] =	vst v4;
	v4 =	vld.idx.msk [tilespmem:v9+s4+$0x0], $0xffff  }
0x3b: {  	v9 =	vadd.s32 s1, v1;
	s1 =	sadd.s32 $0x4, s7;
	[tilespmem:s3+$0x0] =	vst v5;
	v5 =	vld.idx.msk [tilespmem:v11+s4+$0x0], $0xffff  }
0x3c: {  	v11 =	vadd.s32 s1, v1;
	s1 =	sadd.s32 $0x5, s7;
	v8 =	vld.idx.msk [tilespmem:v8+s4+$0x0], $0xffff;
	[tilespmem:s3+$0x80] =	vst v6  }
0x3d: {  	v6 =	vadd.s32 s1, v1;
	s1 =	sadd.s32 $0x6, s7;
	v13 =	vld.idx.msk [tilespmem:v13+s4+$0x0], $0xffff;
	[tilespmem:s3+$0x100] =	vst v7  }
0x3e: {  	v7 =	vld.idx.msk [tilespmem:v10+s4+$0x0], $0xffff;
	v10 =	vadd.s32 s1, v1;
	s1 =	sadd.s32 $0x7, s7;
	[tilespmem:s3+$0x180] =	vst v3  }
0x3f: {  	v14 =	vld.idx.msk [tilespmem:v12+s4+$0x0], $0xffff;
	v12 =	vadd.s32 s1, v1;
	s1 =	sadd.s32 $0x8, s7;
	[tilespmem:s3+$0x200] =	vst v2  }
0x40: {  	v15 =	vld.idx.msk [tilespmem:v9+s4+$0x0], $0xffff;
	v9 =	vadd.s32 s1, v1;
	s1 =	sadd.s32 $0x9, s7;
	[tilespmem:s3+$0x280] =	vst v4  }
0x41: {  	v16 =	vld.idx.msk [tilespmem:v11+s4+$0x0], $0xffff;
	v11 =	vadd.s32 s1, v1;
	s1 =	sadd.s32 $0xA, s7;
	[tilespmem:s3+$0x300] =	vst v5  }
0x42: {  	v3 =	vld.idx.msk [tilespmem:v6+s4+$0x0], $0xffff;
	v17 =	vadd.s32 s1, v1;
	s1 =	sadd.s32 $0xB, s7;
	[tilespmem:s3+$0xFFFFFC00] =	vst v8;
	s3 =	sadd.s32 $0x800, s3  }
.Ltmp0:
0x43: {  	v2 =	vld.idx.msk [tilespmem:v10+s4+$0x0], $0xffff;
	v10 =	vadd.s32 s1, v1;
	s1 =	sadd.s32 $0xC, s7;
	[tilespmem:s3+$0x380] =	vst v13;
	(pc) =	sbr.rel @p2 .LBB2_6-.Ltmp0, $4  }
0x44: {  	[tilespmem:s3+$0xFFFFFC80] =	vst v7;
	v4 =	vld.idx.msk [tilespmem:v12+s4+$0x0], $0xffff;
	v12 =	vadd.s32 s1, v1;
	s1 =	sadd.s32 $0xD, s7  }
0x45: {  	[tilespmem:s3+$0xFFFFFD00] =	vst v14;
	v5 =	vld.idx.msk [tilespmem:v9+s4+$0x0], $0xffff;
	v9 =	vadd.s32 s1, v1;
	s1 =	sadd.s32 $0xE, s7  }
0x46: {  	[tilespmem:s3+$0xFFFFFD80] =	vst v15;
	v6 =	vld.idx.msk [tilespmem:v11+s4+$0x0], $0xffff;
	v11 =	vadd.s32 s1, v1  }
0x47: {  	s23 =	sadd.s32 $0xF, s13;
	v8 =	vadd.s32 s7, v1;
	s7 =	smov.u32 s13;
	s13 =	sadd.s32 $0x10, s13;
	[tilespmem:s3+$0xFFFFFE00] =	vst v16;
	v7 =	vld.idx.msk [tilespmem:v17+s4+$0x0], $0xffff  }
0x48: {  	_ =	sdelay $0x2  }
0x49: {  	[tilespmem:s3+$0xFFFFFE80] =	vst v3  }
0x4a: {  	s1 =	sadd.s32 $0x1, s7;
	v3 =	vadd.s32 s23, v1;
	v10 =	vld.idx.msk [tilespmem:v10+s4+$0x0], $0xffff;
	[tilespmem:s3+$0xFFFFFF00] =	vst v2  }
0x4b: {  	s23 =	sadd.s32 $0x2, s7;
	v12 =	vld.idx.msk [tilespmem:v12+s4+$0x0], $0xffff;
	v2 =	vadd.s32 s1, v1;
	[tilespmem:s3+$0xFFFFFF80] =	vst v4  }
0x4c: {  	s13 =	sadd.s32 $0x3, s7;
	v9 =	vld.idx.msk [tilespmem:v9+s4+$0x0], $0xffff;
	v46 =	vadd.s32 s23, v1;
	[tilespmem:s3+$0x0] =	vst v5  }
0x4d: {  	v11 =	vld.idx.msk [tilespmem:v11+s4+$0x0], $0xffff;
	v47 =	vadd.s32 s13, v1;
	s23 =	sadd.s32 $0x4, s7;
	[tilespmem:s3+$0x80] =	vst v6  }
0x4e: {  	v8 =	vld.idx.msk [tilespmem:v8+s4+$0x0], $0xffff;
	s13 =	sadd.s32 $0x5, s7;
	v48 =	vadd.s32 s23, v1;
	s23 =	sadd.s32 $0x6, s7;
	[tilespmem:s3+$0x100] =	vst v7  }
0x4f: {  	v49 =	vadd.s32 s13, v1;
	s13 =	sadd.s32 $0x7, s7;
	v50 =	vadd.s32 s23, v1;
	s23 =	sadd.s32 $0x8, s7;
	v3 =	vld.idx.msk [tilespmem:v3+s4+$0x0], $0xffff;
	[tilespmem:s3+$0x180] =	vst v10  }
0x50: {  	v51 =	vadd.s32 s13, v1;
	s13 =	sadd.s32 $0x9, s7;
	v52 =	vadd.s32 s23, v1;
	[tilespmem:s3+$0x200] =	vst v12;
	v2 =	vld.idx.msk [tilespmem:v2+s4+$0x0], $0xffff  }
0x51: {  	v53 =	vadd.s32 s13, v1;
	[tilespmem:s3+$0x280] =	vst v9;
	v4 =	vld.idx.msk [tilespmem:v46+s4+$0x0], $0xffff  }
0x52: {  	s23 =	sadd.s32 $0xA, s7;
	[tilespmem:s3+$0x300] =	vst v11;
	v5 =	vld.idx.msk [tilespmem:v47+s4+$0x0], $0xffff  }
0x53: {  	[tilespmem:s3+$0xFFFFFC00] =	vst v8;
	s3 =	sadd.s32 $0x800, s3;
	v54 =	vadd.s32 s23, v1;
	v6 =	vld.idx.msk [tilespmem:v48+s4+$0x0], $0xffff  }
0x54: {  	s13 =	sadd.s32 $0xB, s7;
	s23 =	sadd.s32 $0xC, s7;
	v7 =	vld.idx.msk [tilespmem:v49+s4+$0x0], $0xffff;
	[tilespmem:s3+$0x380] =	vst v3  }
0x55: {  	v55 =	vadd.s32 s13, v1;
	v56 =	vadd.s32 s23, v1;
	s23 =	sadd.s32 $0xE, s7;
	v57 =	vld.idx.msk [tilespmem:v52+s4+$0x0], $0xffff;
	[tilespmem:s3+$0xFFFFFC80] =	vst v2  }
0x56: {  	s13 =	sadd.s32 $0xD, s7;
	v60 =	vadd.s32 s23, v1;
	v59 =	vld.idx.msk [tilespmem:v53+s4+$0x0], $0xffff;
	[tilespmem:s3+$0xFFFFFD00] =	vst v4  }
0x57: {  	v58 =	vadd.s32 s13, v1;
	v1 =	vadd.s32 s7, v1;
	v3 =	vld.idx.msk [tilespmem:v50+s4+$0x0], $0xffff;
	[tilespmem:s3+$0xFFFFFD80] =	vst v5  }
0x58: {  	v61 =	vld.idx.msk [tilespmem:v54+s4+$0x0], $0xffff;
	[tilespmem:s3+$0xFFFFFE00] =	vst v6  }
0x59: {  	v2 =	vld.idx.msk [tilespmem:v51+s4+$0x0], $0xffff;
	[tilespmem:s3+$0xFFFFFE80] =	vst v7  }
0x5a: {  	v62 =	vld.idx.msk [tilespmem:v55+s4+$0x0], $0xffff;
	[tilespmem:s3+$0x0] =	vst v57  }
0x5b: {  	v63 =	vld.idx.msk [tilespmem:v60+s4+$0x0], $0xffff;
	[tilespmem:s3+$0x80] =	vst v59  }
0x5c: {  	v1 =	vld.idx.msk [tilespmem:v1+s4+$0x0], $0xffff;
	[tilespmem:s3+$0xFFFFFF00] =	vst v3  }
0x5d: {  	s5 =	sadd.s32 $0x1, s5;
	v3 =	vld.idx.msk [tilespmem:v56+s4+$0x0], $0xffff;
	[tilespmem:s3+$0x100] =	vst v61  }
0x5e: {  	p2 =	sne.s32 s5, $0x8;
	[tilespmem:s3+$0xFFFFFF80] =	vst v2;
	v2 =	vld.idx.msk [tilespmem:v58+s4+$0x0], $0xffff  }
.Ltmp1:
0x5f: {  	[tilespmem:s3+$0x180] =	vst v62;
	(pc) =	sbr.rel @p2 .LBB2_5-.Ltmp1, $4  }
0x60: {  	[tilespmem:s3+$0x300] =	vst v63  }
0x61: {  	[tilespmem:s3+$0xFFFFFC00] =	vst v1  }
0x62: {  	[tilespmem:s3+$0x200] =	vst v3  }
0x63: {  	s11 =	sadd.s32 $0x10, s11;
	[tilespmem:s3+$0x280] =	vst v2  }
0x64: {  	s0 =	sor.u32 s10, s31  }
0x65: {  	s0 =	sshll.u32 s0, $0xA  }
0x66: {  	s0 =	sor.u32 s30, s0  }
0x67: {  	s0 =	sshrl.u32 s0, $0x3  }
0x68: {  	s31 =	sor.u32 $0x1, s31;
	s0 =	sadd.s32 s2, s0  }
0x69: {  	[hbm4b:s0+s16] =	stream.strided.scatter [tilespmem:s18], [sflag:$0x4], $0x2000, s17, s16, $0x38;
	[tilespmem:$0x9500] =	vst v63  }
0x6a: {  	s1 =	sshll.u32 s31, $0xA;
	s0 =	simm.s32 @p1 $0x5  }
0x6b: {  	s1 =	sand.u32 $0x3FFFFC00, s1;
	_ =	swait.ge @p1 [sflag:s0], $0x2000  }
0x6c: {  	s3 =	simm.s32 $0x7900;
	s1 =	sadd.s32 s1, s29;
	[sflag:s0] =	ssyncset.done @p1 $0x0  }
0x6d: {  	s5 =	simm.s32 $0x0;
	v0 =	vmov s1;
	[sflag:s0] =	ssyncadd.s32 @p1 $0xFFFFE000;
	s0 =	simm.s32 $0x0  }
.LBB2_9:
0x6e: {  	_ =	sdelay $0x2  }
0x6f: {  	s1 =	sshll.u32 s5, $0x4  }
0x70: {  	v1 =	vld.idx.msk [tilespmem:v0+s1+$0x0 ss:$0x1], $0xffff;
	_ =	sdelay $0x4  }
0x71: {  	v1 =	vmul.u32 $0x41, v1  }
0x72: {  	s13 =	simm.s32 $0xF  }
0x73: {  	s7 =	simm.s32 $0x1;
	v2 =	vadd.s32 s13, v1  }
0x74: {  	s23 =	simm.s32 $0x2;
	v3 =	vadd.s32 s7, v1  }
0x75: {  	s11 =	simm.s32 $0x4;
	v4 =	vadd.s32 s23, v1  }
0x76: {  	s7 =	simm.s32 $0x3;
	v6 =	vadd.s32 s11, v1  }
0x77: {  	s13 =	simm.s32 $0x5;
	v5 =	vadd.s32 s7, v1  }
0x78: {  	s23 =	simm.s32 $0x6;
	v7 =	vadd.s32 s13, v1;
	v8 =	vld.idx.msk [tilespmem:v2+s4+$0x0], $0xffff  }
0x79: {  	s7 =	simm.s32 $0x7;
	v9 =	vld.idx.msk [tilespmem:v3+s4+$0x0], $0xffff;
	v2 =	vadd.s32 s23, v1  }
0x7a: {  	s13 =	simm.s32 $0x9;
	v11 =	vld.idx.msk [tilespmem:v4+s4+$0x0], $0xffff;
	v4 =	vadd.s32 s7, v1  }
0x7b: {  	s11 =	simm.s32 $0x8;
	v14 =	vld.idx.msk [tilespmem:v6+s4+$0x0], $0xffff;
	v6 =	vadd.s32 s13, v1  }
0x7c: {  	s23 =	simm.s32 $0xA;
	v13 =	vld.idx.msk [tilespmem:v5+s4+$0x0], $0xffff;
	v5 =	vadd.s32 s11, v1  }
0x7d: {  	s7 =	simm.s32 $0xB;
	v3 =	vld.idx.msk [tilespmem:v7+s4+$0x0], $0xffff;
	v7 =	vadd.s32 s23, v1  }
0x7e: {  	v10 =	vadd.s32 s7, v1;
	s11 =	simm.s32 $0xC;
	v2 =	vld.idx.msk [tilespmem:v2+s4+$0x0], $0xffff;
	[tilespmem:s3+$0x380] =	vst v8  }
0x7f: {  	s13 =	simm.s32 $0xD;
	v12 =	vadd.s32 s11, v1;
	[tilespmem:s3+$0xFFFFFC80] =	vst v9;
	v4 =	vld.idx.msk [tilespmem:v4+s4+$0x0], $0xffff  }
0x80: {  	s23 =	simm.s32 $0xE;
	[tilespmem:s3+$0xFFFFFD00] =	vst v11;
	v9 =	vadd.s32 s13, v1;
	v6 =	vld.idx.msk [tilespmem:v6+s4+$0x0], $0xffff  }
0x81: {  	s7 =	simm.s32 $0x10;
	v11 =	vadd.s32 s23, v1;
	[tilespmem:s3+$0xFFFFFE00] =	vst v14;
	v5 =	vld.idx.msk [tilespmem:v5+s4+$0x0], $0xffff  }
0x82: {  	s11 =	smov.u32 s3;
	s23 =	simm.s32 $0x1F;
	s13 =	simm.s32 $0x20;
	v8 =	vadd.s32 s0, v1;
	[tilespmem:s3+$0xFFFFFD80] =	vst v13;
	v7 =	vld.idx.msk [tilespmem:v7+s4+$0x0], $0xffff  }
.LBB2_10:
0x83: {  	p1 =	slt.u32 s13, $0x30;
	s1 =	sadd.s32 $0x1, s7;
	v13 =	vadd.s32 s23, v1;
	[tilespmem:s11+$0xFFFFFE80] =	vst v3;
	v3 =	vld.idx.msk [tilespmem:v10+s4+$0x0], $0xffff  }
0x84: {  	v10 =	vadd.s32 s1, v1;
	s1 =	sadd.s32 $0x2, s7;
	[tilespmem:s11+$0xFFFFFF00] =	vst v2;
	v2 =	vld.idx.msk [tilespmem:v12+s4+$0x0], $0xffff  }
0x85: {  	v12 =	vadd.s32 s1, v1;
	s1 =	sadd.s32 $0x3, s7;
	[tilespmem:s11+$0xFFFFFF80] =	vst v4;
	v4 =	vld.idx.msk [tilespmem:v9+s4+$0x0], $0xffff  }
0x86: {  	v9 =	vadd.s32 s1, v1;
	s1 =	sadd.s32 $0x4, s7;
	[tilespmem:s11+$0x0] =	vst v5;
	v5 =	vld.idx.msk [tilespmem:v11+s4+$0x0], $0xffff  }
0x87: {  	v11 =	vadd.s32 s1, v1;
	s1 =	sadd.s32 $0x5, s7;
	v8 =	vld.idx.msk [tilespmem:v8+s4+$0x0], $0xffff;
	[tilespmem:s11+$0x80] =	vst v6  }
0x88: {  	v6 =	vadd.s32 s1, v1;
	s1 =	sadd.s32 $0x6, s7;
	v13 =	vld.idx.msk [tilespmem:v13+s4+$0x0], $0xffff;
	[tilespmem:s11+$0x100] =	vst v7  }
0x89: {  	v7 =	vld.idx.msk [tilespmem:v10+s4+$0x0], $0xffff;
	v10 =	vadd.s32 s1, v1;
	s1 =	sadd.s32 $0x7, s7;
	[tilespmem:s11+$0x180] =	vst v3  }
0x8a: {  	v14 =	vld.idx.msk [tilespmem:v12+s4+$0x0], $0xffff;
	v12 =	vadd.s32 s1, v1;
	s1 =	sadd.s32 $0x8, s7;
	[tilespmem:s11+$0x200] =	vst v2  }
0x8b: {  	v15 =	vld.idx.msk [tilespmem:v9+s4+$0x0], $0xffff;
	v9 =	vadd.s32 s1, v1;
	s1 =	sadd.s32 $0x9, s7;
	[tilespmem:s11+$0x280] =	vst v4  }
0x8c: {  	v16 =	vld.idx.msk [tilespmem:v11+s4+$0x0], $0xffff;
	v11 =	vadd.s32 s1, v1;
	s1 =	sadd.s32 $0xA, s7;
	[tilespmem:s11+$0x300] =	vst v5  }
0x8d: {  	v3 =	vld.idx.msk [tilespmem:v6+s4+$0x0], $0xffff;
	v17 =	vadd.s32 s1, v1;
	s1 =	sadd.s32 $0xB, s7;
	[tilespmem:s11+$0xFFFFFC00] =	vst v8;
	s11 =	sadd.s32 $0x800, s11  }
.Ltmp2:
0x8e: {  	v2 =	vld.idx.msk [tilespmem:v10+s4+$0x0], $0xffff;
	v10 =	vadd.s32 s1, v1;
	s1 =	sadd.s32 $0xC, s7;
	[tilespmem:s11+$0x380] =	vst v13;
	(pc) =	sbr.rel @p1 .LBB2_10-.Ltmp2, $4  }
0x8f: {  	[tilespmem:s11+$0xFFFFFC80] =	vst v7;
	v4 =	vld.idx.msk [tilespmem:v12+s4+$0x0], $0xffff;
	v12 =	vadd.s32 s1, v1;
	s1 =	sadd.s32 $0xD, s7  }
0x90: {  	[tilespmem:s11+$0xFFFFFD00] =	vst v14;
	v5 =	vld.idx.msk [tilespmem:v9+s4+$0x0], $0xffff;
	v9 =	vadd.s32 s1, v1;
	s1 =	sadd.s32 $0xE, s7  }
0x91: {  	[tilespmem:s11+$0xFFFFFD80] =	vst v15;
	v6 =	vld.idx.msk [tilespmem:v11+s4+$0x0], $0xffff;
	v11 =	vadd.s32 s1, v1  }
0x92: {  	s23 =	sadd.s32 $0xF, s13;
	v8 =	vadd.s32 s7, v1;
	s7 =	smov.u32 s13;
	s13 =	sadd.s32 $0x10, s13;
	[tilespmem:s11+$0xFFFFFE00] =	vst v16;
	v7 =	vld.idx.msk [tilespmem:v17+s4+$0x0], $0xffff  }
0x93: {  	_ =	sdelay $0x2  }
0x94: {  	[tilespmem:s11+$0xFFFFFE80] =	vst v3  }
0x95: {  	s1 =	sadd.s32 $0x1, s7;
	v3 =	vadd.s32 s23, v1;
	v10 =	vld.idx.msk [tilespmem:v10+s4+$0x0], $0xffff;
	[tilespmem:s11+$0xFFFFFF00] =	vst v2  }
0x96: {  	s23 =	sadd.s32 $0x2, s7;
	v12 =	vld.idx.msk [tilespmem:v12+s4+$0x0], $0xffff;
	v2 =	vadd.s32 s1, v1;
	[tilespmem:s11+$0xFFFFFF80] =	vst v4  }
0x97: {  	s13 =	sadd.s32 $0x3, s7;
	v9 =	vld.idx.msk [tilespmem:v9+s4+$0x0], $0xffff;
	v46 =	vadd.s32 s23, v1;
	[tilespmem:s11+$0x0] =	vst v5  }
0x98: {  	v11 =	vld.idx.msk [tilespmem:v11+s4+$0x0], $0xffff;
	v47 =	vadd.s32 s13, v1;
	s23 =	sadd.s32 $0x4, s7;
	[tilespmem:s11+$0x80] =	vst v6  }
0x99: {  	v8 =	vld.idx.msk [tilespmem:v8+s4+$0x0], $0xffff;
	s13 =	sadd.s32 $0x5, s7;
	v48 =	vadd.s32 s23, v1;
	s23 =	sadd.s32 $0x6, s7;
	[tilespmem:s11+$0x100] =	vst v7  }
0x9a: {  	v49 =	vadd.s32 s13, v1;
	s13 =	sadd.s32 $0x7, s7;
	v50 =	vadd.s32 s23, v1;
	s23 =	sadd.s32 $0x8, s7;
	v3 =	vld.idx.msk [tilespmem:v3+s4+$0x0], $0xffff;
	[tilespmem:s11+$0x180] =	vst v10  }
0x9b: {  	v51 =	vadd.s32 s13, v1;
	s13 =	sadd.s32 $0x9, s7;
	v52 =	vadd.s32 s23, v1;
	[tilespmem:s11+$0x200] =	vst v12;
	v2 =	vld.idx.msk [tilespmem:v2+s4+$0x0], $0xffff  }
0x9c: {  	v53 =	vadd.s32 s13, v1;
	[tilespmem:s11+$0x280] =	vst v9;
	v4 =	vld.idx.msk [tilespmem:v46+s4+$0x0], $0xffff  }
0x9d: {  	s23 =	sadd.s32 $0xA, s7;
	[tilespmem:s11+$0x300] =	vst v11;
	v5 =	vld.idx.msk [tilespmem:v47+s4+$0x0], $0xffff  }
0x9e: {  	[tilespmem:s11+$0xFFFFFC00] =	vst v8;
	s11 =	sadd.s32 $0x800, s11;
	v54 =	vadd.s32 s23, v1;
	v6 =	vld.idx.msk [tilespmem:v48+s4+$0x0], $0xffff  }
0x9f: {  	s13 =	sadd.s32 $0xB, s7;
	s23 =	sadd.s32 $0xC, s7;
	v7 =	vld.idx.msk [tilespmem:v49+s4+$0x0], $0xffff;
	[tilespmem:s11+$0x380] =	vst v3  }
0xa0: {  	v55 =	vadd.s32 s13, v1;
	v56 =	vadd.s32 s23, v1;
	s23 =	sadd.s32 $0xE, s7;
	v57 =	vld.idx.msk [tilespmem:v52+s4+$0x0], $0xffff;
	[tilespmem:s11+$0xFFFFFC80] =	vst v2  }
0xa1: {  	s13 =	sadd.s32 $0xD, s7;
	v60 =	vadd.s32 s23, v1;
	v59 =	vld.idx.msk [tilespmem:v53+s4+$0x0], $0xffff;
	[tilespmem:s11+$0xFFFFFD00] =	vst v4  }
0xa2: {  	v58 =	vadd.s32 s13, v1;
	v1 =	vadd.s32 s7, v1;
	v3 =	vld.idx.msk [tilespmem:v50+s4+$0x0], $0xffff;
	[tilespmem:s11+$0xFFFFFD80] =	vst v5  }
0xa3: {  	v61 =	vld.idx.msk [tilespmem:v54+s4+$0x0], $0xffff;
	[tilespmem:s11+$0xFFFFFE00] =	vst v6  }
0xa4: {  	v2 =	vld.idx.msk [tilespmem:v51+s4+$0x0], $0xffff;
	[tilespmem:s11+$0xFFFFFE80] =	vst v7  }
0xa5: {  	v62 =	vld.idx.msk [tilespmem:v55+s4+$0x0], $0xffff;
	[tilespmem:s11+$0x0] =	vst v57  }
0xa6: {  	v63 =	vld.idx.msk [tilespmem:v60+s4+$0x0], $0xffff;
	[tilespmem:s11+$0x80] =	vst v59  }
0xa7: {  	v1 =	vld.idx.msk [tilespmem:v1+s4+$0x0], $0xffff;
	[tilespmem:s11+$0xFFFFFF00] =	vst v3  }
0xa8: {  	s5 =	sadd.s32 $0x1, s5;
	v3 =	vld.idx.msk [tilespmem:v56+s4+$0x0], $0xffff;
	[tilespmem:s11+$0x100] =	vst v61  }
0xa9: {  	p1 =	sne.s32 s5, $0x8;
	[tilespmem:s11+$0xFFFFFF80] =	vst v2;
	v2 =	vld.idx.msk [tilespmem:v58+s4+$0x0], $0xffff  }
.Ltmp3:
0xaa: {  	[tilespmem:s11+$0x180] =	vst v62;
	(pc) =	sbr.rel @p1 .LBB2_9-.Ltmp3, $4  }
0xab: {  	[tilespmem:s11+$0x300] =	vst v63  }
0xac: {  	[tilespmem:s11+$0xFFFFFC00] =	vst v1  }
0xad: {  	[tilespmem:s11+$0x200] =	vst v3  }
0xae: {  	s3 =	sadd.s32 $0x10, s3;
	[tilespmem:s11+$0x280] =	vst v2  }
0xaf: {  	s0 =	sor.u32 s10, s31  }
0xb0: {  	s0 =	sshll.u32 s0, $0xA  }
.Ltmp4:
0xb1: {  	s0 =	sor.u32 s30, s0;
	(pc) =	sbr.rel @p0 .LBB2_4-.Ltmp4, $4  }
0xb2: {  	s0 =	sshrl.u32 s0, $0x3  }
0xb3: {  	s0 =	sadd.s32 s2, s0  }
0xb4: {  	[hbm4b:s0+s16] =	stream.strided.scatter [tilespmem:s19], [sflag:$0x5], $0x2000, s17, s16, $0x38;
	[tilespmem:$0x9500] =	vst v63  }
0xb5: {  	p2 =	por $0x0, $0x0;
	p1 =	por $0x1, $0x1;
	s0 =	simm.s32 $0x1  }
0xb6: {  	s28 =	sadd.s32 $0x1, s28  }
0xb7: {  	p0 =	sne.s32 s28, $0x8  }
.Ltmp5:
0xb8: {  	_ = 	snop;
	(pc) =	sbr.rel @p0 .LBB2_3-.Ltmp5, $1  }
0xb9: {  	_ =	sdelay $0x3  }
0xba: {  	_ =	swait.ge [sflag:s20], $0x1000;
	s0 =	sadd.s32 s8, s25  }
0xbb: {  	s25 =	simm.s32 $0x0;
	[sflag:s20] =	ssyncset.done $0x0;
	s0 =	sshrl.u32 s0, $0x3  }
0xbc: {  	s26 =	sor.u32 $0x800000, s26;
	[sflag:s20] =	ssyncadd.s32 $0xFFFFF000;
	s0 =	sadd.s32 s15, s0  }
0xbd: {  	[tilespmem:s12], [sflag:$0x2] =	stream.linear.gather [hbm4b:s0+s25], $0x1000, $0x38;
	[tilespmem:$0x9500] =	vst v63  }
.LBB2_15:
0xbe: {  	s0 =	sshll.u32 s25, $0x7  }
0xbf: {  	s31 =	sshll.u32 s25, $0x14;
	p1 =	por $0x1, $0x1;
	s0 =	sand.u32 $0x3FFFFF80, s0  }
0xc0: {  	s30 =	simm.s32 $0x0;
	s29 =	sadd.s32 s26, s31;
	s28 =	sadd.s32 $0x4500, s0  }
.LBB2_16:
0xc1: {  	s0 =	sshll.u32 s30, $0xB  }
0xc2: {  	_ =	swait.ge [sflag:s21], $0x2000;
	p0 =	por p1, p1;
	s0 =	sand.u32 $0x3FFFF800, s0  }
0xc3: {  	s3 =	simm.s32 $0x5900;
	[sflag:s21] =	ssyncset.done $0x0;
	s1 =	sadd.s32 s0, s28  }
0xc4: {  	s5 =	simm.s32 $0x0;
	[sflag:s21] =	ssyncadd.s32 $0xFFFFE000;
	s0 =	simm.s32 $0x0;
	v0 =	vmov s1  }
.LBB2_17:
0xc5: {  	_ =	sdelay $0x2  }
0xc6: {  	s1 =	sshll.u32 s5, $0x4  }
0xc7: {  	v1 =	vld.idx.msk [tilespmem:v0+s1+$0x0 ss:$0x1], $0xffff;
	_ =	sdelay $0x4  }
0xc8: {  	v1 =	vmul.u32 $0x41, v1  }
0xc9: {  	s11 =	simm.s32 $0xF  }
0xca: {  	s7 =	simm.s32 $0x1;
	v2 =	vadd.s32 s11, v1  }
0xcb: {  	s13 =	simm.s32 $0x2;
	v3 =	vadd.s32 s7, v1  }
0xcc: {  	s23 =	simm.s32 $0x3;
	v4 =	vadd.s32 s13, v1  }
0xcd: {  	s31 =	simm.s32 $0x4;
	v5 =	vadd.s32 s23, v1  }
0xce: {  	v6 =	vadd.s32 s31, v1;
	s7 =	simm.s32 $0x5  }
0xcf: {  	s11 =	simm.s32 $0x6;
	v7 =	vadd.s32 s7, v1;
	v8 =	vld.idx.msk [tilespmem:v2+s4+$0x0], $0xffff  }
0xd0: {  	s13 =	simm.s32 $0x7;
	v9 =	vld.idx.msk [tilespmem:v3+s4+$0x0], $0xffff;
	v2 =	vadd.s32 s11, v1  }
0xd1: {  	s23 =	simm.s32 $0x8;
	v11 =	vld.idx.msk [tilespmem:v4+s4+$0x0], $0xffff;
	v4 =	vadd.s32 s13, v1  }
0xd2: {  	s31 =	simm.s32 $0x9;
	v13 =	vld.idx.msk [tilespmem:v5+s4+$0x0], $0xffff;
	v5 =	vadd.s32 s23, v1  }
0xd3: {  	s7 =	simm.s32 $0xA;
	v14 =	vld.idx.msk [tilespmem:v6+s4+$0x0], $0xffff;
	v6 =	vadd.s32 s31, v1  }
0xd4: {  	s11 =	simm.s32 $0xB;
	v3 =	vld.idx.msk [tilespmem:v7+s4+$0x0], $0xffff;
	v7 =	vadd.s32 s7, v1  }
0xd5: {  	s13 =	simm.s32 $0xC;
	v10 =	vadd.s32 s11, v1;
	v2 =	vld.idx.msk [tilespmem:v2+s4+$0x0], $0xffff;
	[tilespmem:s3+$0x380] =	vst v8  }
0xd6: {  	s23 =	simm.s32 $0xD;
	v12 =	vadd.s32 s13, v1;
	[tilespmem:s3+$0xFFFFFC80] =	vst v9;
	v4 =	vld.idx.msk [tilespmem:v4+s4+$0x0], $0xffff  }
0xd7: {  	s31 =	simm.s32 $0xE;
	[tilespmem:s3+$0xFFFFFD00] =	vst v11;
	v5 =	vld.idx.msk [tilespmem:v5+s4+$0x0], $0xffff;
	v9 =	vadd.s32 s23, v1  }
0xd8: {  	s7 =	simm.s32 $0x10;
	[tilespmem:s3+$0xFFFFFD80] =	vst v13;
	v6 =	vld.idx.msk [tilespmem:v6+s4+$0x0], $0xffff;
	v11 =	vadd.s32 s31, v1  }
0xd9: {  	s13 =	simm.s32 $0x20;
	s11 =	smov.u32 s3;
	s23 =	simm.s32 $0x1F;
	v8 =	vadd.s32 s0, v1;
	[tilespmem:s3+$0xFFFFFE00] =	vst v14;
	v7 =	vld.idx.msk [tilespmem:v7+s4+$0x0], $0xffff  }
.LBB2_18:
0xda: {  	p1 =	slt.u32 s13, $0x30;
	s1 =	sadd.s32 $0x1, s7;
	v13 =	vadd.s32 s23, v1;
	[tilespmem:s11+$0xFFFFFE80] =	vst v3;
	v3 =	vld.idx.msk [tilespmem:v10+s4+$0x0], $0xffff  }
0xdb: {  	v10 =	vadd.s32 s1, v1;
	s1 =	sadd.s32 $0x2, s7;
	[tilespmem:s11+$0xFFFFFF00] =	vst v2;
	v2 =	vld.idx.msk [tilespmem:v12+s4+$0x0], $0xffff  }
0xdc: {  	v12 =	vadd.s32 s1, v1;
	s1 =	sadd.s32 $0x3, s7;
	[tilespmem:s11+$0xFFFFFF80] =	vst v4;
	v4 =	vld.idx.msk [tilespmem:v9+s4+$0x0], $0xffff  }
0xdd: {  	v9 =	vadd.s32 s1, v1;
	s1 =	sadd.s32 $0x4, s7;
	[tilespmem:s11+$0x0] =	vst v5;
	v5 =	vld.idx.msk [tilespmem:v11+s4+$0x0], $0xffff  }
0xde: {  	v11 =	vadd.s32 s1, v1;
	s1 =	sadd.s32 $0x5, s7;
	v8 =	vld.idx.msk [tilespmem:v8+s4+$0x0], $0xffff;
	[tilespmem:s11+$0x80] =	vst v6  }
0xdf: {  	v6 =	vadd.s32 s1, v1;
	s1 =	sadd.s32 $0x6, s7;
	v13 =	vld.idx.msk [tilespmem:v13+s4+$0x0], $0xffff;
	[tilespmem:s11+$0x100] =	vst v7  }
0xe0: {  	v7 =	vld.idx.msk [tilespmem:v10+s4+$0x0], $0xffff;
	v10 =	vadd.s32 s1, v1;
	s1 =	sadd.s32 $0x7, s7;
	[tilespmem:s11+$0x180] =	vst v3  }
0xe1: {  	v14 =	vld.idx.msk [tilespmem:v12+s4+$0x0], $0xffff;
	v12 =	vadd.s32 s1, v1;
	s1 =	sadd.s32 $0x8, s7;
	[tilespmem:s11+$0x200] =	vst v2  }
0xe2: {  	v15 =	vld.idx.msk [tilespmem:v9+s4+$0x0], $0xffff;
	v9 =	vadd.s32 s1, v1;
	s1 =	sadd.s32 $0x9, s7;
	[tilespmem:s11+$0x280] =	vst v4  }
0xe3: {  	v16 =	vld.idx.msk [tilespmem:v11+s4+$0x0], $0xffff;
	v11 =	vadd.s32 s1, v1;
	s1 =	sadd.s32 $0xA, s7;
	[tilespmem:s11+$0x300] =	vst v5  }
0xe4: {  	v3 =	vld.idx.msk [tilespmem:v6+s4+$0x0], $0xffff;
	v17 =	vadd.s32 s1, v1;
	s1 =	sadd.s32 $0xB, s7;
	[tilespmem:s11+$0xFFFFFC00] =	vst v8;
	s11 =	sadd.s32 $0x800, s11  }
.Ltmp6:
0xe5: {  	v2 =	vld.idx.msk [tilespmem:v10+s4+$0x0], $0xffff;
	v10 =	vadd.s32 s1, v1;
	s1 =	sadd.s32 $0xC, s7;
	[tilespmem:s11+$0x380] =	vst v13;
	(pc) =	sbr.rel @p1 .LBB2_18-.Ltmp6, $4  }
0xe6: {  	[tilespmem:s11+$0xFFFFFC80] =	vst v7;
	v4 =	vld.idx.msk [tilespmem:v12+s4+$0x0], $0xffff;
	v12 =	vadd.s32 s1, v1;
	s1 =	sadd.s32 $0xD, s7  }
0xe7: {  	[tilespmem:s11+$0xFFFFFD00] =	vst v14;
	v5 =	vld.idx.msk [tilespmem:v9+s4+$0x0], $0xffff;
	v9 =	vadd.s32 s1, v1;
	s1 =	sadd.s32 $0xE, s7  }
0xe8: {  	[tilespmem:s11+$0xFFFFFD80] =	vst v15;
	v6 =	vld.idx.msk [tilespmem:v11+s4+$0x0], $0xffff;
	v11 =	vadd.s32 s1, v1  }
0xe9: {  	s23 =	sadd.s32 $0xF, s13;
	v8 =	vadd.s32 s7, v1;
	s7 =	smov.u32 s13;
	s13 =	sadd.s32 $0x10, s13;
	[tilespmem:s11+$0xFFFFFE00] =	vst v16;
	v7 =	vld.idx.msk [tilespmem:v17+s4+$0x0], $0xffff  }
0xea: {  	_ =	sdelay $0x2  }
0xeb: {  	[tilespmem:s11+$0xFFFFFE80] =	vst v3  }
0xec: {  	s1 =	sadd.s32 $0x1, s7;
	v3 =	vadd.s32 s23, v1;
	v10 =	vld.idx.msk [tilespmem:v10+s4+$0x0], $0xffff;
	[tilespmem:s11+$0xFFFFFF00] =	vst v2  }
0xed: {  	s31 =	sadd.s32 $0x2, s7;
	v12 =	vld.idx.msk [tilespmem:v12+s4+$0x0], $0xffff;
	v2 =	vadd.s32 s1, v1;
	[tilespmem:s11+$0xFFFFFF80] =	vst v4  }
0xee: {  	s13 =	sadd.s32 $0x3, s7;
	v9 =	vld.idx.msk [tilespmem:v9+s4+$0x0], $0xffff;
	v46 =	vadd.s32 s31, v1;
	[tilespmem:s11+$0x0] =	vst v5  }
0xef: {  	s23 =	sadd.s32 $0x4, s7;
	v11 =	vld.idx.msk [tilespmem:v11+s4+$0x0], $0xffff;
	v47 =	vadd.s32 s13, v1;
	[tilespmem:s11+$0x80] =	vst v6  }
0xf0: {  	v8 =	vld.idx.msk [tilespmem:v8+s4+$0x0], $0xffff;
	v48 =	vadd.s32 s23, v1;
	s31 =	sadd.s32 $0x5, s7;
	[tilespmem:s11+$0x100] =	vst v7  }
0xf1: {  	s13 =	sadd.s32 $0x6, s7;
	v49 =	vadd.s32 s31, v1;
	s31 =	sadd.s32 $0x8, s7;
	v3 =	vld.idx.msk [tilespmem:v3+s4+$0x0], $0xffff;
	[tilespmem:s11+$0x180] =	vst v10  }
0xf2: {  	s23 =	sadd.s32 $0x7, s7;
	v50 =	vadd.s32 s13, v1;
	s13 =	sadd.s32 $0x9, s7;
	v52 =	vadd.s32 s31, v1;
	[tilespmem:s11+$0x200] =	vst v12;
	v2 =	vld.idx.msk [tilespmem:v2+s4+$0x0], $0xffff  }
0xf3: {  	v51 =	vadd.s32 s23, v1;
	s23 =	sadd.s32 $0xA, s7;
	v53 =	vadd.s32 s13, v1;
	[tilespmem:s11+$0x280] =	vst v9;
	v4 =	vld.idx.msk [tilespmem:v46+s4+$0x0], $0xffff  }
0xf4: {  	v54 =	vadd.s32 s23, v1;
	[tilespmem:s11+$0x300] =	vst v11;
	v5 =	vld.idx.msk [tilespmem:v47+s4+$0x0], $0xffff  }
0xf5: {  	[tilespmem:s11+$0xFFFFFC00] =	vst v8;
	s11 =	sadd.s32 $0x800, s11;
	v6 =	vld.idx.msk [tilespmem:v48+s4+$0x0], $0xffff  }
0xf6: {  	s31 =	sadd.s32 $0xB, s7;
	v7 =	vld.idx.msk [tilespmem:v49+s4+$0x0], $0xffff;
	[tilespmem:s11+$0x380] =	vst v3  }
0xf7: {  	s13 =	sadd.s32 $0xC, s7;
	v55 =	vadd.s32 s31, v1;
	s31 =	sadd.s32 $0xE, s7;
	v57 =	vld.idx.msk [tilespmem:v52+s4+$0x0], $0xffff;
	[tilespmem:s11+$0xFFFFFC80] =	vst v2  }
0xf8: {  	s23 =	sadd.s32 $0xD, s7;
	v56 =	vadd.s32 s13, v1;
	v60 =	vadd.s32 s31, v1;
	v59 =	vld.idx.msk [tilespmem:v53+s4+$0x0], $0xffff;
	[tilespmem:s11+$0xFFFFFD00] =	vst v4  }
0xf9: {  	v58 =	vadd.s32 s23, v1;
	v1 =	vadd.s32 s7, v1;
	v61 =	vld.idx.msk [tilespmem:v54+s4+$0x0], $0xffff;
	[tilespmem:s11+$0xFFFFFD80] =	vst v5  }
0xfa: {  	v3 =	vld.idx.msk [tilespmem:v50+s4+$0x0], $0xffff;
	[tilespmem:s11+$0xFFFFFE00] =	vst v6  }
0xfb: {  	v2 =	vld.idx.msk [tilespmem:v51+s4+$0x0], $0xffff;
	[tilespmem:s11+$0xFFFFFE80] =	vst v7  }
0xfc: {  	v62 =	vld.idx.msk [tilespmem:v55+s4+$0x0], $0xffff;
	[tilespmem:s11+$0x0] =	vst v57  }
0xfd: {  	v63 =	vld.idx.msk [tilespmem:v60+s4+$0x0], $0xffff;
	[tilespmem:s11+$0x80] =	vst v59  }
0xfe: {  	v1 =	vld.idx.msk [tilespmem:v1+s4+$0x0], $0xffff;
	[tilespmem:s11+$0x100] =	vst v61  }
0xff: {  	s5 =	sadd.s32 $0x1, s5;
	[tilespmem:s11+$0xFFFFFF00] =	vst v3;
	v3 =	vld.idx.msk [tilespmem:v56+s4+$0x0], $0xffff  }
0x100: {  	p1 =	sne.s32 s5, $0x8;
	[tilespmem:s11+$0xFFFFFF80] =	vst v2;
	v2 =	vld.idx.msk [tilespmem:v58+s4+$0x0], $0xffff  }
.Ltmp7:
0x101: {  	[tilespmem:s11+$0x180] =	vst v62;
	(pc) =	sbr.rel @p1 .LBB2_17-.Ltmp7, $4  }
0x102: {  	[tilespmem:s11+$0x300] =	vst v63  }
0x103: {  	[tilespmem:s11+$0xFFFFFC00] =	vst v1  }
0x104: {  	[tilespmem:s11+$0x200] =	vst v3  }
0x105: {  	s3 =	sadd.s32 $0x10, s3;
	[tilespmem:s11+$0x280] =	vst v2  }
0x106: {  	s0 =	sshll.u32 s30, $0x1  }
0x107: {  	s0 =	sor.u32 s10, s0  }
0x108: {  	s0 =	sshll.u32 s0, $0xA  }
0x109: {  	s0 =	sor.u32 s29, s0  }
0x10a: {  	s30 =	sshllo.u32 s30, $0x1;
	s0 =	sshrl.u32 s0, $0x3  }
0x10b: {  	s31 =	sshll.u32 s30, $0xA;
	s0 =	sadd.s32 s2, s0  }
0x10c: {  	[hbm4b:s0+s16] =	stream.strided.scatter [tilespmem:s18], [sflag:$0x4], $0x2000, s17, s16, $0x38;
	[tilespmem:$0x9500] =	vst v63  }
0x10d: {  	s0 =	sand.u32 $0x3FFFFC00, s31;
	_ =	swait.ge [sflag:s22], $0x2000  }
0x10e: {  	s3 =	simm.s32 $0x7900;
	s1 =	sadd.s32 s0, s28;
	[sflag:s22] =	ssyncset.done $0x0  }
0x10f: {  	s5 =	simm.s32 $0x0;
	s0 =	simm.s32 $0x0;
	v0 =	vmov s1;
	[sflag:s22] =	ssyncadd.s32 $0xFFFFE000  }
.LBB2_21:
0x110: {  	_ =	sdelay $0x2  }
0x111: {  	s1 =	sshll.u32 s5, $0x4  }
0x112: {  	v1 =	vld.idx.msk [tilespmem:v0+s1+$0x0 ss:$0x1], $0xffff;
	_ =	sdelay $0x4  }
0x113: {  	v1 =	vmul.u32 $0x41, v1  }
0x114: {  	s11 =	simm.s32 $0xF  }
0x115: {  	s7 =	simm.s32 $0x1;
	v2 =	vadd.s32 s11, v1  }
0x116: {  	s13 =	simm.s32 $0x2;
	v3 =	vadd.s32 s7, v1  }
0x117: {  	s23 =	simm.s32 $0x3;
	v4 =	vadd.s32 s13, v1  }
0x118: {  	s31 =	simm.s32 $0x4;
	v5 =	vadd.s32 s23, v1  }
0x119: {  	v6 =	vadd.s32 s31, v1;
	s7 =	simm.s32 $0x5  }
0x11a: {  	s11 =	simm.s32 $0x6;
	v7 =	vadd.s32 s7, v1;
	v8 =	vld.idx.msk [tilespmem:v2+s4+$0x0], $0xffff  }
0x11b: {  	s13 =	simm.s32 $0x7;
	v9 =	vld.idx.msk [tilespmem:v3+s4+$0x0], $0xffff;
	v2 =	vadd.s32 s11, v1  }
0x11c: {  	s23 =	simm.s32 $0x8;
	v11 =	vld.idx.msk [tilespmem:v4+s4+$0x0], $0xffff;
	v4 =	vadd.s32 s13, v1  }
0x11d: {  	s31 =	simm.s32 $0x9;
	v13 =	vld.idx.msk [tilespmem:v5+s4+$0x0], $0xffff;
	v5 =	vadd.s32 s23, v1  }
0x11e: {  	s7 =	simm.s32 $0xA;
	v14 =	vld.idx.msk [tilespmem:v6+s4+$0x0], $0xffff;
	v6 =	vadd.s32 s31, v1  }
0x11f: {  	s11 =	simm.s32 $0xB;
	v3 =	vld.idx.msk [tilespmem:v7+s4+$0x0], $0xffff;
	v7 =	vadd.s32 s7, v1  }
0x120: {  	s13 =	simm.s32 $0xC;
	v10 =	vadd.s32 s11, v1;
	v2 =	vld.idx.msk [tilespmem:v2+s4+$0x0], $0xffff;
	[tilespmem:s3+$0x380] =	vst v8  }
0x121: {  	s23 =	simm.s32 $0xD;
	v12 =	vadd.s32 s13, v1;
	[tilespmem:s3+$0xFFFFFC80] =	vst v9;
	v4 =	vld.idx.msk [tilespmem:v4+s4+$0x0], $0xffff  }
0x122: {  	s31 =	simm.s32 $0xE;
	[tilespmem:s3+$0xFFFFFD00] =	vst v11;
	v5 =	vld.idx.msk [tilespmem:v5+s4+$0x0], $0xffff;
	v9 =	vadd.s32 s23, v1  }
0x123: {  	s7 =	simm.s32 $0x10;
	[tilespmem:s3+$0xFFFFFD80] =	vst v13;
	v6 =	vld.idx.msk [tilespmem:v6+s4+$0x0], $0xffff;
	v11 =	vadd.s32 s31, v1  }
0x124: {  	s13 =	simm.s32 $0x20;
	s11 =	smov.u32 s3;
	s23 =	simm.s32 $0x1F;
	v8 =	vadd.s32 s0, v1;
	[tilespmem:s3+$0xFFFFFE00] =	vst v14;
	v7 =	vld.idx.msk [tilespmem:v7+s4+$0x0], $0xffff  }
.LBB2_22:
0x125: {  	p1 =	slt.u32 s13, $0x30;
	s1 =	sadd.s32 $0x1, s7;
	v13 =	vadd.s32 s23, v1;
	[tilespmem:s11+$0xFFFFFE80] =	vst v3;
	v3 =	vld.idx.msk [tilespmem:v10+s4+$0x0], $0xffff  }
0x126: {  	v10 =	vadd.s32 s1, v1;
	s1 =	sadd.s32 $0x2, s7;
	[tilespmem:s11+$0xFFFFFF00] =	vst v2;
	v2 =	vld.idx.msk [tilespmem:v12+s4+$0x0], $0xffff  }
0x127: {  	v12 =	vadd.s32 s1, v1;
	s1 =	sadd.s32 $0x3, s7;
	[tilespmem:s11+$0xFFFFFF80] =	vst v4;
	v4 =	vld.idx.msk [tilespmem:v9+s4+$0x0], $0xffff  }
0x128: {  	v9 =	vadd.s32 s1, v1;
	s1 =	sadd.s32 $0x4, s7;
	[tilespmem:s11+$0x0] =	vst v5;
	v5 =	vld.idx.msk [tilespmem:v11+s4+$0x0], $0xffff  }
0x129: {  	v11 =	vadd.s32 s1, v1;
	s1 =	sadd.s32 $0x5, s7;
	v8 =	vld.idx.msk [tilespmem:v8+s4+$0x0], $0xffff;
	[tilespmem:s11+$0x80] =	vst v6  }
0x12a: {  	v6 =	vadd.s32 s1, v1;
	s1 =	sadd.s32 $0x6, s7;
	v13 =	vld.idx.msk [tilespmem:v13+s4+$0x0], $0xffff;
	[tilespmem:s11+$0x100] =	vst v7  }
0x12b: {  	v7 =	vld.idx.msk [tilespmem:v10+s4+$0x0], $0xffff;
	v10 =	vadd.s32 s1, v1;
	s1 =	sadd.s32 $0x7, s7;
	[tilespmem:s11+$0x180] =	vst v3  }
0x12c: {  	v14 =	vld.idx.msk [tilespmem:v12+s4+$0x0], $0xffff;
	v12 =	vadd.s32 s1, v1;
	s1 =	sadd.s32 $0x8, s7;
	[tilespmem:s11+$0x200] =	vst v2  }
0x12d: {  	v15 =	vld.idx.msk [tilespmem:v9+s4+$0x0], $0xffff;
	v9 =	vadd.s32 s1, v1;
	s1 =	sadd.s32 $0x9, s7;
	[tilespmem:s11+$0x280] =	vst v4  }
0x12e: {  	v16 =	vld.idx.msk [tilespmem:v11+s4+$0x0], $0xffff;
	v11 =	vadd.s32 s1, v1;
	s1 =	sadd.s32 $0xA, s7;
	[tilespmem:s11+$0x300] =	vst v5  }
0x12f: {  	v3 =	vld.idx.msk [tilespmem:v6+s4+$0x0], $0xffff;
	v17 =	vadd.s32 s1, v1;
	s1 =	sadd.s32 $0xB, s7;
	[tilespmem:s11+$0xFFFFFC00] =	vst v8;
	s11 =	sadd.s32 $0x800, s11  }
.Ltmp8:
0x130: {  	v2 =	vld.idx.msk [tilespmem:v10+s4+$0x0], $0xffff;
	v10 =	vadd.s32 s1, v1;
	s1 =	sadd.s32 $0xC, s7;
	[tilespmem:s11+$0x380] =	vst v13;
	(pc) =	sbr.rel @p1 .LBB2_22-.Ltmp8, $4  }
0x131: {  	[tilespmem:s11+$0xFFFFFC80] =	vst v7;
	v4 =	vld.idx.msk [tilespmem:v12+s4+$0x0], $0xffff;
	v12 =	vadd.s32 s1, v1;
	s1 =	sadd.s32 $0xD, s7  }
0x132: {  	[tilespmem:s11+$0xFFFFFD00] =	vst v14;
	v5 =	vld.idx.msk [tilespmem:v9+s4+$0x0], $0xffff;
	v9 =	vadd.s32 s1, v1;
	s1 =	sadd.s32 $0xE, s7  }
0x133: {  	[tilespmem:s11+$0xFFFFFD80] =	vst v15;
	v6 =	vld.idx.msk [tilespmem:v11+s4+$0x0], $0xffff;
	v11 =	vadd.s32 s1, v1  }
0x134: {  	s23 =	sadd.s32 $0xF, s13;
	v8 =	vadd.s32 s7, v1;
	s7 =	smov.u32 s13;
	s13 =	sadd.s32 $0x10, s13;
	[tilespmem:s11+$0xFFFFFE00] =	vst v16;
	v7 =	vld.idx.msk [tilespmem:v17+s4+$0x0], $0xffff  }
0x135: {  	_ =	sdelay $0x2  }
0x136: {  	[tilespmem:s11+$0xFFFFFE80] =	vst v3  }
0x137: {  	s1 =	sadd.s32 $0x1, s7;
	v3 =	vadd.s32 s23, v1;
	v10 =	vld.idx.msk [tilespmem:v10+s4+$0x0], $0xffff;
	[tilespmem:s11+$0xFFFFFF00] =	vst v2  }
0x138: {  	s31 =	sadd.s32 $0x2, s7;
	v12 =	vld.idx.msk [tilespmem:v12+s4+$0x0], $0xffff;
	v2 =	vadd.s32 s1, v1;
	[tilespmem:s11+$0xFFFFFF80] =	vst v4  }
0x139: {  	s13 =	sadd.s32 $0x3, s7;
	v9 =	vld.idx.msk [tilespmem:v9+s4+$0x0], $0xffff;
	v46 =	vadd.s32 s31, v1;
	[tilespmem:s11+$0x0] =	vst v5  }
0x13a: {  	s23 =	sadd.s32 $0x4, s7;
	v11 =	vld.idx.msk [tilespmem:v11+s4+$0x0], $0xffff;
	v47 =	vadd.s32 s13, v1;
	[tilespmem:s11+$0x80] =	vst v6  }
0x13b: {  	v8 =	vld.idx.msk [tilespmem:v8+s4+$0x0], $0xffff;
	v48 =	vadd.s32 s23, v1;
	s31 =	sadd.s32 $0x5, s7;
	[tilespmem:s11+$0x100] =	vst v7  }
0x13c: {  	s13 =	sadd.s32 $0x6, s7;
	v49 =	vadd.s32 s31, v1;
	s31 =	sadd.s32 $0x8, s7;
	v3 =	vld.idx.msk [tilespmem:v3+s4+$0x0], $0xffff;
	[tilespmem:s11+$0x180] =	vst v10  }
0x13d: {  	s23 =	sadd.s32 $0x7, s7;
	v50 =	vadd.s32 s13, v1;
	s13 =	sadd.s32 $0x9, s7;
	v52 =	vadd.s32 s31, v1;
	[tilespmem:s11+$0x200] =	vst v12;
	v2 =	vld.idx.msk [tilespmem:v2+s4+$0x0], $0xffff  }
0x13e: {  	v51 =	vadd.s32 s23, v1;
	s23 =	sadd.s32 $0xA, s7;
	v53 =	vadd.s32 s13, v1;
	[tilespmem:s11+$0x280] =	vst v9;
	v4 =	vld.idx.msk [tilespmem:v46+s4+$0x0], $0xffff  }
0x13f: {  	v54 =	vadd.s32 s23, v1;
	[tilespmem:s11+$0x300] =	vst v11;
	v5 =	vld.idx.msk [tilespmem:v47+s4+$0x0], $0xffff  }
0x140: {  	[tilespmem:s11+$0xFFFFFC00] =	vst v8;
	s11 =	sadd.s32 $0x800, s11;
	v6 =	vld.idx.msk [tilespmem:v48+s4+$0x0], $0xffff  }
0x141: {  	s31 =	sadd.s32 $0xB, s7;
	v7 =	vld.idx.msk [tilespmem:v49+s4+$0x0], $0xffff;
	[tilespmem:s11+$0x380] =	vst v3  }
0x142: {  	s13 =	sadd.s32 $0xC, s7;
	v55 =	vadd.s32 s31, v1;
	s31 =	sadd.s32 $0xE, s7;
	v57 =	vld.idx.msk [tilespmem:v52+s4+$0x0], $0xffff;
	[tilespmem:s11+$0xFFFFFC80] =	vst v2  }
0x143: {  	s23 =	sadd.s32 $0xD, s7;
	v56 =	vadd.s32 s13, v1;
	v60 =	vadd.s32 s31, v1;
	v59 =	vld.idx.msk [tilespmem:v53+s4+$0x0], $0xffff;
	[tilespmem:s11+$0xFFFFFD00] =	vst v4  }
0x144: {  	v58 =	vadd.s32 s23, v1;
	v1 =	vadd.s32 s7, v1;
	v61 =	vld.idx.msk [tilespmem:v54+s4+$0x0], $0xffff;
	[tilespmem:s11+$0xFFFFFD80] =	vst v5  }
0x145: {  	v3 =	vld.idx.msk [tilespmem:v50+s4+$0x0], $0xffff;
	[tilespmem:s11+$0xFFFFFE00] =	vst v6  }
0x146: {  	v2 =	vld.idx.msk [tilespmem:v51+s4+$0x0], $0xffff;
	[tilespmem:s11+$0xFFFFFE80] =	vst v7  }
0x147: {  	v62 =	vld.idx.msk [tilespmem:v55+s4+$0x0], $0xffff;
	[tilespmem:s11+$0x0] =	vst v57  }
0x148: {  	v63 =	vld.idx.msk [tilespmem:v60+s4+$0x0], $0xffff;
	[tilespmem:s11+$0x80] =	vst v59  }
0x149: {  	v1 =	vld.idx.msk [tilespmem:v1+s4+$0x0], $0xffff;
	[tilespmem:s11+$0x100] =	vst v61  }
0x14a: {  	s5 =	sadd.s32 $0x1, s5;
	[tilespmem:s11+$0xFFFFFF00] =	vst v3;
	v3 =	vld.idx.msk [tilespmem:v56+s4+$0x0], $0xffff  }
0x14b: {  	p1 =	sne.s32 s5, $0x8;
	[tilespmem:s11+$0xFFFFFF80] =	vst v2;
	v2 =	vld.idx.msk [tilespmem:v58+s4+$0x0], $0xffff  }
.Ltmp9:
0x14c: {  	[tilespmem:s11+$0x180] =	vst v62;
	(pc) =	sbr.rel @p1 .LBB2_21-.Ltmp9, $4  }
0x14d: {  	[tilespmem:s11+$0x300] =	vst v63  }
0x14e: {  	[tilespmem:s11+$0xFFFFFC00] =	vst v1  }
0x14f: {  	[tilespmem:s11+$0x200] =	vst v3  }
0x150: {  	s3 =	sadd.s32 $0x10, s3;
	[tilespmem:s11+$0x280] =	vst v2  }
0x151: {  	s0 =	sor.u32 s10, s30  }
.Ltmp10:
0x152: {  	s0 =	sshll.u32 s0, $0xA;
	(pc) =	sbr.rel @p0 .LBB2_16-.Ltmp10, $4  }
0x153: {  	s0 =	sor.u32 s29, s0  }
0x154: {  	s0 =	sshrl.u32 s0, $0x3  }
0x155: {  	s30 =	simm.s32 $0x1;
	p1 =	por $0x0, $0x0;
	s0 =	sadd.s32 s2, s0  }
0x156: {  	[hbm4b:s0+s16] =	stream.strided.scatter [tilespmem:s19], [sflag:$0x5], $0x2000, s17, s16, $0x38;
	[tilespmem:$0x9500] =	vst v63  }
0x157: {  	s25 =	sadd.s32 $0x1, s25  }
0x158: {  	p0 =	sne.s32 s25, $0x8  }
.Ltmp11:
0x159: {  	_ = 	snop;
	(pc) =	sbr.rel @p0 .LBB2_15-.Ltmp11, $1  }
0x15a: {  	_ =	sdelay $0x3  }
0x15b: {  	s24 =	sadd.s32 $0x1, s24  }
0x15c: {  	p0 =	sne.s32 s24, $0xC  }
.Ltmp12:
0x15d: {  	_ = 	snop;
	(pc) =	sbr.rel @p0 .LBB2_2-.Ltmp12, $1  }
0x15e: {  	_ =	sdelay $0x3  }
0x15f: {  	_ =	swait.ge [sflag:s14], $0x1000  }
0x160: {  	[sflag:s14] =	ssyncset.done $0x0  }
0x161: {  	s24 =	simm.s32 $0x0;
	[sflag:s14] =	ssyncadd.s32 $0xFFFFF000  }
.LBB2_28:
0x162: {  	s0 =	sshll.u32 s24, $0x7  }
0x163: {  	s31 =	sshll.u32 s24, $0x14;
	p1 =	por $0x1, $0x1;
	s0 =	sand.u32 $0x3FFFFF80, s0  }
0x164: {  	s28 =	simm.s32 $0x0;
	s26 =	sadd.s32 $0xC000000, s31;
	s25 =	sadd.s32 $0x3500, s0  }
.LBB2_29:
0x165: {  	s0 =	sshll.u32 s28, $0xB  }
0x166: {  	_ =	swait.ge [sflag:s21], $0x2000;
	p0 =	por p1, p1;
	s0 =	sand.u32 $0x3FFFF800, s0  }
0x167: {  	s3 =	simm.s32 $0x5900;
	[sflag:s21] =	ssyncset.done $0x0;
	s1 =	sadd.s32 s0, s25  }
0x168: {  	s5 =	simm.s32 $0x0;
	[sflag:s21] =	ssyncadd.s32 $0xFFFFE000;
	s0 =	simm.s32 $0x0;
	v0 =	vmov s1  }
.LBB2_30:
0x169: {  	_ =	sdelay $0x2  }
0x16a: {  	s1 =	sshll.u32 s5, $0x4  }
0x16b: {  	v1 =	vld.idx.msk [tilespmem:v0+s1+$0x0 ss:$0x1], $0xffff;
	_ =	sdelay $0x4  }
0x16c: {  	v1 =	vmul.u32 $0x41, v1  }
0x16d: {  	s31 =	simm.s32 $0xF  }
0x16e: {  	s7 =	simm.s32 $0x1;
	v2 =	vadd.s32 s31, v1  }
0x16f: {  	s11 =	simm.s32 $0x2;
	v3 =	vadd.s32 s7, v1  }
0x170: {  	s13 =	simm.s32 $0x3;
	v4 =	vadd.s32 s11, v1  }
0x171: {  	s23 =	simm.s32 $0x4;
	v5 =	vadd.s32 s13, v1  }
0x172: {  	s29 =	simm.s32 $0x5;
	v6 =	vadd.s32 s23, v1  }
0x173: {  	s30 =	simm.s32 $0x6;
	v7 =	vadd.s32 s29, v1;
	v8 =	vld.idx.msk [tilespmem:v2+s4+$0x0], $0xffff  }
0x174: {  	s31 =	simm.s32 $0x7;
	v9 =	vld.idx.msk [tilespmem:v3+s4+$0x0], $0xffff;
	v2 =	vadd.s32 s30, v1  }
0x175: {  	s7 =	simm.s32 $0x8;
	v11 =	vld.idx.msk [tilespmem:v4+s4+$0x0], $0xffff;
	v4 =	vadd.s32 s31, v1  }
0x176: {  	s11 =	simm.s32 $0x9;
	v13 =	vld.idx.msk [tilespmem:v5+s4+$0x0], $0xffff;
	v5 =	vadd.s32 s7, v1  }
0x177: {  	s13 =	simm.s32 $0xA;
	v14 =	vld.idx.msk [tilespmem:v6+s4+$0x0], $0xffff;
	v6 =	vadd.s32 s11, v1  }
0x178: {  	s23 =	simm.s32 $0xB;
	v3 =	vld.idx.msk [tilespmem:v7+s4+$0x0], $0xffff;
	v7 =	vadd.s32 s13, v1  }
0x179: {  	s29 =	simm.s32 $0xC;
	v10 =	vadd.s32 s23, v1;
	v2 =	vld.idx.msk [tilespmem:v2+s4+$0x0], $0xffff;
	[tilespmem:s3+$0x380] =	vst v8  }
0x17a: {  	v12 =	vadd.s32 s29, v1;
	s30 =	simm.s32 $0xD;
	[tilespmem:s3+$0xFFFFFC80] =	vst v9;
	v4 =	vld.idx.msk [tilespmem:v4+s4+$0x0], $0xffff  }
0x17b: {  	s31 =	simm.s32 $0xE;
	[tilespmem:s3+$0xFFFFFD00] =	vst v11;
	v5 =	vld.idx.msk [tilespmem:v5+s4+$0x0], $0xffff;
	v9 =	vadd.s32 s30, v1  }
0x17c: {  	s23 =	simm.s32 $0x1F;
	[tilespmem:s3+$0xFFFFFD80] =	vst v13;
	v6 =	vld.idx.msk [tilespmem:v6+s4+$0x0], $0xffff;
	v11 =	vadd.s32 s31, v1  }
0x17d: {  	s7 =	simm.s32 $0x10;
	s13 =	simm.s32 $0x20;
	s11 =	smov.u32 s3;
	v8 =	vadd.s32 s0, v1;
	[tilespmem:s3+$0xFFFFFE00] =	vst v14;
	v7 =	vld.idx.msk [tilespmem:v7+s4+$0x0], $0xffff  }
.LBB2_31:
0x17e: {  	p1 =	slt.u32 s13, $0x30;
	s1 =	sadd.s32 $0x1, s7;
	v13 =	vadd.s32 s23, v1;
	[tilespmem:s11+$0xFFFFFE80] =	vst v3;
	v3 =	vld.idx.msk [tilespmem:v10+s4+$0x0], $0xffff  }
0x17f: {  	v10 =	vadd.s32 s1, v1;
	s1 =	sadd.s32 $0x2, s7;
	[tilespmem:s11+$0xFFFFFF00] =	vst v2;
	v2 =	vld.idx.msk [tilespmem:v12+s4+$0x0], $0xffff  }
0x180: {  	v12 =	vadd.s32 s1, v1;
	s1 =	sadd.s32 $0x3, s7;
	[tilespmem:s11+$0xFFFFFF80] =	vst v4;
	v4 =	vld.idx.msk [tilespmem:v9+s4+$0x0], $0xffff  }
0x181: {  	v9 =	vadd.s32 s1, v1;
	s1 =	sadd.s32 $0x4, s7;
	[tilespmem:s11+$0x0] =	vst v5;
	v5 =	vld.idx.msk [tilespmem:v11+s4+$0x0], $0xffff  }
0x182: {  	v11 =	vadd.s32 s1, v1;
	s1 =	sadd.s32 $0x5, s7;
	v8 =	vld.idx.msk [tilespmem:v8+s4+$0x0], $0xffff;
	[tilespmem:s11+$0x80] =	vst v6  }
0x183: {  	v6 =	vadd.s32 s1, v1;
	s1 =	sadd.s32 $0x6, s7;
	v13 =	vld.idx.msk [tilespmem:v13+s4+$0x0], $0xffff;
	[tilespmem:s11+$0x100] =	vst v7  }
0x184: {  	v7 =	vld.idx.msk [tilespmem:v10+s4+$0x0], $0xffff;
	v10 =	vadd.s32 s1, v1;
	s1 =	sadd.s32 $0x7, s7;
	[tilespmem:s11+$0x180] =	vst v3  }
0x185: {  	v14 =	vld.idx.msk [tilespmem:v12+s4+$0x0], $0xffff;
	v12 =	vadd.s32 s1, v1;
	s1 =	sadd.s32 $0x8, s7;
	[tilespmem:s11+$0x200] =	vst v2  }
0x186: {  	v15 =	vld.idx.msk [tilespmem:v9+s4+$0x0], $0xffff;
	v9 =	vadd.s32 s1, v1;
	s1 =	sadd.s32 $0x9, s7;
	[tilespmem:s11+$0x280] =	vst v4  }
0x187: {  	v16 =	vld.idx.msk [tilespmem:v11+s4+$0x0], $0xffff;
	v11 =	vadd.s32 s1, v1;
	s1 =	sadd.s32 $0xA, s7;
	[tilespmem:s11+$0x300] =	vst v5  }
0x188: {  	v3 =	vld.idx.msk [tilespmem:v6+s4+$0x0], $0xffff;
	v17 =	vadd.s32 s1, v1;
	s1 =	sadd.s32 $0xB, s7;
	[tilespmem:s11+$0xFFFFFC00] =	vst v8;
	s11 =	sadd.s32 $0x800, s11  }
.Ltmp13:
0x189: {  	v2 =	vld.idx.msk [tilespmem:v10+s4+$0x0], $0xffff;
	v10 =	vadd.s32 s1, v1;
	s1 =	sadd.s32 $0xC, s7;
	[tilespmem:s11+$0x380] =	vst v13;
	(pc) =	sbr.rel @p1 .LBB2_31-.Ltmp13, $4  }
0x18a: {  	[tilespmem:s11+$0xFFFFFC80] =	vst v7;
	v4 =	vld.idx.msk [tilespmem:v12+s4+$0x0], $0xffff;
	v12 =	vadd.s32 s1, v1;
	s1 =	sadd.s32 $0xD, s7  }
0x18b: {  	[tilespmem:s11+$0xFFFFFD00] =	vst v14;
	v5 =	vld.idx.msk [tilespmem:v9+s4+$0x0], $0xffff;
	v9 =	vadd.s32 s1, v1;
	s1 =	sadd.s32 $0xE, s7  }
0x18c: {  	[tilespmem:s11+$0xFFFFFD80] =	vst v15;
	v6 =	vld.idx.msk [tilespmem:v11+s4+$0x0], $0xffff;
	v11 =	vadd.s32 s1, v1  }
0x18d: {  	s23 =	sadd.s32 $0xF, s13;
	v8 =	vadd.s32 s7, v1;
	s7 =	smov.u32 s13;
	s13 =	sadd.s32 $0x10, s13;
	[tilespmem:s11+$0xFFFFFE00] =	vst v16;
	v7 =	vld.idx.msk [tilespmem:v17+s4+$0x0], $0xffff  }
0x18e: {  	_ =	sdelay $0x2  }
0x18f: {  	[tilespmem:s11+$0xFFFFFE80] =	vst v3  }
0x190: {  	s1 =	sadd.s32 $0x1, s7;
	v3 =	vadd.s32 s23, v1;
	v10 =	vld.idx.msk [tilespmem:v10+s4+$0x0], $0xffff;
	[tilespmem:s11+$0xFFFFFF00] =	vst v2  }
0x191: {  	s23 =	sadd.s32 $0x2, s7;
	v12 =	vld.idx.msk [tilespmem:v12+s4+$0x0], $0xffff;
	v2 =	vadd.s32 s1, v1;
	[tilespmem:s11+$0xFFFFFF80] =	vst v4  }
0x192: {  	s29 =	sadd.s32 $0x3, s7;
	v9 =	vld.idx.msk [tilespmem:v9+s4+$0x0], $0xffff;
	v46 =	vadd.s32 s23, v1;
	[tilespmem:s11+$0x0] =	vst v5  }
0x193: {  	s30 =	sadd.s32 $0x4, s7;
	v11 =	vld.idx.msk [tilespmem:v11+s4+$0x0], $0xffff;
	v47 =	vadd.s32 s29, v1;
	[tilespmem:s11+$0x80] =	vst v6  }
0x194: {  	s31 =	sadd.s32 $0x5, s7;
	v8 =	vld.idx.msk [tilespmem:v8+s4+$0x0], $0xffff;
	v48 =	vadd.s32 s30, v1;
	[tilespmem:s11+$0x100] =	vst v7  }
0x195: {  	v49 =	vadd.s32 s31, v1;
	s29 =	sadd.s32 $0x8, s7;
	v3 =	vld.idx.msk [tilespmem:v3+s4+$0x0], $0xffff;
	[tilespmem:s11+$0x180] =	vst v10  }
0x196: {  	s30 =	sadd.s32 $0x9, s7;
	v52 =	vadd.s32 s29, v1;
	[tilespmem:s11+$0x200] =	vst v12;
	v2 =	vld.idx.msk [tilespmem:v2+s4+$0x0], $0xffff  }
0x197: {  	s31 =	sadd.s32 $0xA, s7;
	v53 =	vadd.s32 s30, v1;
	[tilespmem:s11+$0x280] =	vst v9;
	v4 =	vld.idx.msk [tilespmem:v46+s4+$0x0], $0xffff  }
0x198: {  	s13 =	sadd.s32 $0x6, s7;
	v54 =	vadd.s32 s31, v1;
	[tilespmem:s11+$0x300] =	vst v11;
	v5 =	vld.idx.msk [tilespmem:v47+s4+$0x0], $0xffff  }
0x199: {  	v50 =	vadd.s32 s13, v1;
	s23 =	sadd.s32 $0x7, s7;
	s13 =	sadd.s32 $0x800, s11;
	[tilespmem:s11+$0xFFFFFC00] =	vst v8;
	v6 =	vld.idx.msk [tilespmem:v48+s4+$0x0], $0xffff  }
0x19a: {  	v51 =	vadd.s32 s23, v1;
	s23 =	sadd.s32 $0xB, s7;
	v7 =	vld.idx.msk [tilespmem:v49+s4+$0x0], $0xffff;
	[tilespmem:s13+$0x380] =	vst v3  }
0x19b: {  	s29 =	sadd.s32 $0xC, s7;
	s31 =	sadd.s32 $0xE, s7;
	v55 =	vadd.s32 s23, v1;
	v57 =	vld.idx.msk [tilespmem:v52+s4+$0x0], $0xffff;
	[tilespmem:s13+$0xFFFFFC80] =	vst v2  }
0x19c: {  	s30 =	sadd.s32 $0xD, s7;
	v56 =	vadd.s32 s29, v1;
	v60 =	vadd.s32 s31, v1;
	v59 =	vld.idx.msk [tilespmem:v53+s4+$0x0], $0xffff;
	[tilespmem:s13+$0xFFFFFD00] =	vst v4  }
0x19d: {  	v58 =	vadd.s32 s30, v1;
	v1 =	vadd.s32 s7, v1;
	v61 =	vld.idx.msk [tilespmem:v54+s4+$0x0], $0xffff;
	[tilespmem:s13+$0xFFFFFD80] =	vst v5  }
0x19e: {  	v3 =	vld.idx.msk [tilespmem:v50+s4+$0x0], $0xffff;
	[tilespmem:s13+$0xFFFFFE00] =	vst v6  }
0x19f: {  	v2 =	vld.idx.msk [tilespmem:v51+s4+$0x0], $0xffff;
	[tilespmem:s13+$0xFFFFFE80] =	vst v7  }
0x1a0: {  	v62 =	vld.idx.msk [tilespmem:v55+s4+$0x0], $0xffff;
	[tilespmem:s13+$0x0] =	vst v57  }
0x1a1: {  	v63 =	vld.idx.msk [tilespmem:v60+s4+$0x0], $0xffff;
	[tilespmem:s13+$0x80] =	vst v59  }
0x1a2: {  	v1 =	vld.idx.msk [tilespmem:v1+s4+$0x0], $0xffff;
	[tilespmem:s13+$0x100] =	vst v61  }
0x1a3: {  	s5 =	sadd.s32 $0x1, s5;
	[tilespmem:s13+$0xFFFFFF00] =	vst v3;
	v3 =	vld.idx.msk [tilespmem:v56+s4+$0x0], $0xffff  }
0x1a4: {  	p1 =	sne.s32 s5, $0x8;
	[tilespmem:s13+$0xFFFFFF80] =	vst v2;
	v2 =	vld.idx.msk [tilespmem:v58+s4+$0x0], $0xffff  }
.Ltmp14:
0x1a5: {  	[tilespmem:s13+$0x180] =	vst v62;
	(pc) =	sbr.rel @p1 .LBB2_30-.Ltmp14, $4  }
0x1a6: {  	[tilespmem:s13+$0x300] =	vst v63  }
0x1a7: {  	[tilespmem:s13+$0xFFFFFC00] =	vst v1  }
0x1a8: {  	[tilespmem:s13+$0x200] =	vst v3  }
0x1a9: {  	s3 =	sadd.s32 $0x10, s3;
	[tilespmem:s13+$0x280] =	vst v2  }
0x1aa: {  	s0 =	sshll.u32 s28, $0x1  }
0x1ab: {  	s0 =	sor.u32 s10, s0  }
0x1ac: {  	s0 =	sshll.u32 s0, $0xA  }
0x1ad: {  	s0 =	sor.u32 s26, s0  }
0x1ae: {  	s28 =	sshllo.u32 s28, $0x1;
	s0 =	sshrl.u32 s0, $0x3  }
0x1af: {  	s31 =	sshll.u32 s28, $0xA;
	s0 =	sadd.s32 s2, s0  }
0x1b0: {  	[hbm4b:s0+s16] =	stream.strided.scatter [tilespmem:s18], [sflag:$0x4], $0x2000, s17, s16, $0x38;
	[tilespmem:$0x9500] =	vst v63  }
0x1b1: {  	s0 =	sand.u32 $0x3FFFFC00, s31;
	_ =	swait.ge [sflag:s22], $0x2000  }
0x1b2: {  	s3 =	simm.s32 $0x7900;
	s1 =	sadd.s32 s0, s25;
	[sflag:s22] =	ssyncset.done $0x0  }
0x1b3: {  	s5 =	simm.s32 $0x0;
	s0 =	simm.s32 $0x0;
	v0 =	vmov s1;
	[sflag:s22] =	ssyncadd.s32 $0xFFFFE000  }
.LBB2_34:
0x1b4: {  	_ =	sdelay $0x2  }
0x1b5: {  	s1 =	sshll.u32 s5, $0x4  }
0x1b6: {  	v1 =	vld.idx.msk [tilespmem:v0+s1+$0x0 ss:$0x1], $0xffff;
	_ =	sdelay $0x4  }
0x1b7: {  	v1 =	vmul.u32 $0x41, v1  }
0x1b8: {  	s31 =	simm.s32 $0xF  }
0x1b9: {  	s7 =	simm.s32 $0x1;
	v2 =	vadd.s32 s31, v1  }
0x1ba: {  	s11 =	simm.s32 $0x2;
	v3 =	vadd.s32 s7, v1  }
0x1bb: {  	s13 =	simm.s32 $0x3;
	v4 =	vadd.s32 s11, v1  }
0x1bc: {  	s23 =	simm.s32 $0x4;
	v5 =	vadd.s32 s13, v1  }
0x1bd: {  	s29 =	simm.s32 $0x5;
	v6 =	vadd.s32 s23, v1  }
0x1be: {  	s30 =	simm.s32 $0x6;
	v7 =	vadd.s32 s29, v1;
	v8 =	vld.idx.msk [tilespmem:v2+s4+$0x0], $0xffff  }
0x1bf: {  	s31 =	simm.s32 $0x7;
	v9 =	vld.idx.msk [tilespmem:v3+s4+$0x0], $0xffff;
	v2 =	vadd.s32 s30, v1  }
0x1c0: {  	s7 =	simm.s32 $0x8;
	v11 =	vld.idx.msk [tilespmem:v4+s4+$0x0], $0xffff;
	v4 =	vadd.s32 s31, v1  }
0x1c1: {  	s11 =	simm.s32 $0x9;
	v13 =	vld.idx.msk [tilespmem:v5+s4+$0x0], $0xffff;
	v5 =	vadd.s32 s7, v1  }
0x1c2: {  	s13 =	simm.s32 $0xA;
	v14 =	vld.idx.msk [tilespmem:v6+s4+$0x0], $0xffff;
	v6 =	vadd.s32 s11, v1  }
0x1c3: {  	s23 =	simm.s32 $0xB;
	v3 =	vld.idx.msk [tilespmem:v7+s4+$0x0], $0xffff;
	v7 =	vadd.s32 s13, v1  }
0x1c4: {  	s29 =	simm.s32 $0xC;
	v10 =	vadd.s32 s23, v1;
	v2 =	vld.idx.msk [tilespmem:v2+s4+$0x0], $0xffff;
	[tilespmem:s3+$0x380] =	vst v8  }
0x1c5: {  	v12 =	vadd.s32 s29, v1;
	s30 =	simm.s32 $0xD;
	[tilespmem:s3+$0xFFFFFC80] =	vst v9;
	v4 =	vld.idx.msk [tilespmem:v4+s4+$0x0], $0xffff  }
0x1c6: {  	s31 =	simm.s32 $0xE;
	[tilespmem:s3+$0xFFFFFD00] =	vst v11;
	v5 =	vld.idx.msk [tilespmem:v5+s4+$0x0], $0xffff;
	v9 =	vadd.s32 s30, v1  }
0x1c7: {  	s23 =	simm.s32 $0x1F;
	[tilespmem:s3+$0xFFFFFD80] =	vst v13;
	v6 =	vld.idx.msk [tilespmem:v6+s4+$0x0], $0xffff;
	v11 =	vadd.s32 s31, v1  }
0x1c8: {  	s7 =	simm.s32 $0x10;
	s13 =	simm.s32 $0x20;
	s11 =	smov.u32 s3;
	v8 =	vadd.s32 s0, v1;
	[tilespmem:s3+$0xFFFFFE00] =	vst v14;
	v7 =	vld.idx.msk [tilespmem:v7+s4+$0x0], $0xffff  }
.LBB2_35:
0x1c9: {  	p1 =	slt.u32 s13, $0x30;
	s1 =	sadd.s32 $0x1, s7;
	v13 =	vadd.s32 s23, v1;
	[tilespmem:s11+$0xFFFFFE80] =	vst v3;
	v3 =	vld.idx.msk [tilespmem:v10+s4+$0x0], $0xffff  }
0x1ca: {  	v10 =	vadd.s32 s1, v1;
	s1 =	sadd.s32 $0x2, s7;
	[tilespmem:s11+$0xFFFFFF00] =	vst v2;
	v2 =	vld.idx.msk [tilespmem:v12+s4+$0x0], $0xffff  }
0x1cb: {  	v12 =	vadd.s32 s1, v1;
	s1 =	sadd.s32 $0x3, s7;
	[tilespmem:s11+$0xFFFFFF80] =	vst v4;
	v4 =	vld.idx.msk [tilespmem:v9+s4+$0x0], $0xffff  }
0x1cc: {  	v9 =	vadd.s32 s1, v1;
	s1 =	sadd.s32 $0x4, s7;
	[tilespmem:s11+$0x0] =	vst v5;
	v5 =	vld.idx.msk [tilespmem:v11+s4+$0x0], $0xffff  }
0x1cd: {  	v11 =	vadd.s32 s1, v1;
	s1 =	sadd.s32 $0x5, s7;
	v8 =	vld.idx.msk [tilespmem:v8+s4+$0x0], $0xffff;
	[tilespmem:s11+$0x80] =	vst v6  }
0x1ce: {  	v6 =	vadd.s32 s1, v1;
	s1 =	sadd.s32 $0x6, s7;
	v13 =	vld.idx.msk [tilespmem:v13+s4+$0x0], $0xffff;
	[tilespmem:s11+$0x100] =	vst v7  }
0x1cf: {  	v7 =	vld.idx.msk [tilespmem:v10+s4+$0x0], $0xffff;
	v10 =	vadd.s32 s1, v1;
	s1 =	sadd.s32 $0x7, s7;
	[tilespmem:s11+$0x180] =	vst v3  }
0x1d0: {  	v14 =	vld.idx.msk [tilespmem:v12+s4+$0x0], $0xffff;
	v12 =	vadd.s32 s1, v1;
	s1 =	sadd.s32 $0x8, s7;
	[tilespmem:s11+$0x200] =	vst v2  }
0x1d1: {  	v15 =	vld.idx.msk [tilespmem:v9+s4+$0x0], $0xffff;
	v9 =	vadd.s32 s1, v1;
	s1 =	sadd.s32 $0x9, s7;
	[tilespmem:s11+$0x280] =	vst v4  }
0x1d2: {  	v16 =	vld.idx.msk [tilespmem:v11+s4+$0x0], $0xffff;
	v11 =	vadd.s32 s1, v1;
	s1 =	sadd.s32 $0xA, s7;
	[tilespmem:s11+$0x300] =	vst v5  }
0x1d3: {  	v3 =	vld.idx.msk [tilespmem:v6+s4+$0x0], $0xffff;
	v17 =	vadd.s32 s1, v1;
	s1 =	sadd.s32 $0xB, s7;
	[tilespmem:s11+$0xFFFFFC00] =	vst v8;
	s11 =	sadd.s32 $0x800, s11  }
.Ltmp15:
0x1d4: {  	v2 =	vld.idx.msk [tilespmem:v10+s4+$0x0], $0xffff;
	v10 =	vadd.s32 s1, v1;
	s1 =	sadd.s32 $0xC, s7;
	[tilespmem:s11+$0x380] =	vst v13;
	(pc) =	sbr.rel @p1 .LBB2_35-.Ltmp15, $4  }
0x1d5: {  	[tilespmem:s11+$0xFFFFFC80] =	vst v7;
	v4 =	vld.idx.msk [tilespmem:v12+s4+$0x0], $0xffff;
	v12 =	vadd.s32 s1, v1;
	s1 =	sadd.s32 $0xD, s7  }
0x1d6: {  	[tilespmem:s11+$0xFFFFFD00] =	vst v14;
	v5 =	vld.idx.msk [tilespmem:v9+s4+$0x0], $0xffff;
	v9 =	vadd.s32 s1, v1;
	s1 =	sadd.s32 $0xE, s7  }
0x1d7: {  	[tilespmem:s11+$0xFFFFFD80] =	vst v15;
	v6 =	vld.idx.msk [tilespmem:v11+s4+$0x0], $0xffff;
	v11 =	vadd.s32 s1, v1  }
0x1d8: {  	s23 =	sadd.s32 $0xF, s13;
	v8 =	vadd.s32 s7, v1;
	s7 =	smov.u32 s13;
	s13 =	sadd.s32 $0x10, s13;
	[tilespmem:s11+$0xFFFFFE00] =	vst v16;
	v7 =	vld.idx.msk [tilespmem:v17+s4+$0x0], $0xffff  }
0x1d9: {  	_ =	sdelay $0x2  }
0x1da: {  	[tilespmem:s11+$0xFFFFFE80] =	vst v3  }
0x1db: {  	s1 =	sadd.s32 $0x1, s7;
	v3 =	vadd.s32 s23, v1;
	v10 =	vld.idx.msk [tilespmem:v10+s4+$0x0], $0xffff;
	[tilespmem:s11+$0xFFFFFF00] =	vst v2  }
0x1dc: {  	s23 =	sadd.s32 $0x2, s7;
	v12 =	vld.idx.msk [tilespmem:v12+s4+$0x0], $0xffff;
	v2 =	vadd.s32 s1, v1;
	[tilespmem:s11+$0xFFFFFF80] =	vst v4  }
0x1dd: {  	s29 =	sadd.s32 $0x3, s7;
	v9 =	vld.idx.msk [tilespmem:v9+s4+$0x0], $0xffff;
	v46 =	vadd.s32 s23, v1;
	[tilespmem:s11+$0x0] =	vst v5  }
0x1de: {  	s30 =	sadd.s32 $0x4, s7;
	v11 =	vld.idx.msk [tilespmem:v11+s4+$0x0], $0xffff;
	v47 =	vadd.s32 s29, v1;
	[tilespmem:s11+$0x80] =	vst v6  }
0x1df: {  	s31 =	sadd.s32 $0x5, s7;
	v8 =	vld.idx.msk [tilespmem:v8+s4+$0x0], $0xffff;
	v48 =	vadd.s32 s30, v1;
	[tilespmem:s11+$0x100] =	vst v7  }
0x1e0: {  	v49 =	vadd.s32 s31, v1;
	s29 =	sadd.s32 $0x8, s7;
	v3 =	vld.idx.msk [tilespmem:v3+s4+$0x0], $0xffff;
	[tilespmem:s11+$0x180] =	vst v10  }
0x1e1: {  	s30 =	sadd.s32 $0x9, s7;
	v52 =	vadd.s32 s29, v1;
	[tilespmem:s11+$0x200] =	vst v12;
	v2 =	vld.idx.msk [tilespmem:v2+s4+$0x0], $0xffff  }
0x1e2: {  	s31 =	sadd.s32 $0xA, s7;
	v53 =	vadd.s32 s30, v1;
	[tilespmem:s11+$0x280] =	vst v9;
	v4 =	vld.idx.msk [tilespmem:v46+s4+$0x0], $0xffff  }
0x1e3: {  	s13 =	sadd.s32 $0x6, s7;
	v54 =	vadd.s32 s31, v1;
	[tilespmem:s11+$0x300] =	vst v11;
	v5 =	vld.idx.msk [tilespmem:v47+s4+$0x0], $0xffff  }
0x1e4: {  	v50 =	vadd.s32 s13, v1;
	s23 =	sadd.s32 $0x7, s7;
	s13 =	sadd.s32 $0x800, s11;
	[tilespmem:s11+$0xFFFFFC00] =	vst v8;
	v6 =	vld.idx.msk [tilespmem:v48+s4+$0x0], $0xffff  }
0x1e5: {  	v51 =	vadd.s32 s23, v1;
	s23 =	sadd.s32 $0xB, s7;
	v7 =	vld.idx.msk [tilespmem:v49+s4+$0x0], $0xffff;
	[tilespmem:s13+$0x380] =	vst v3  }
0x1e6: {  	s29 =	sadd.s32 $0xC, s7;
	s31 =	sadd.s32 $0xE, s7;
	v55 =	vadd.s32 s23, v1;
	v57 =	vld.idx.msk [tilespmem:v52+s4+$0x0], $0xffff;
	[tilespmem:s13+$0xFFFFFC80] =	vst v2  }
0x1e7: {  	s30 =	sadd.s32 $0xD, s7;
	v56 =	vadd.s32 s29, v1;
	v60 =	vadd.s32 s31, v1;
	v59 =	vld.idx.msk [tilespmem:v53+s4+$0x0], $0xffff;
	[tilespmem:s13+$0xFFFFFD00] =	vst v4  }
0x1e8: {  	v58 =	vadd.s32 s30, v1;
	v1 =	vadd.s32 s7, v1;
	v61 =	vld.idx.msk [tilespmem:v54+s4+$0x0], $0xffff;
	[tilespmem:s13+$0xFFFFFD80] =	vst v5  }
0x1e9: {  	v3 =	vld.idx.msk [tilespmem:v50+s4+$0x0], $0xffff;
	[tilespmem:s13+$0xFFFFFE00] =	vst v6  }
0x1ea: {  	v2 =	vld.idx.msk [tilespmem:v51+s4+$0x0], $0xffff;
	[tilespmem:s13+$0xFFFFFE80] =	vst v7  }
0x1eb: {  	v62 =	vld.idx.msk [tilespmem:v55+s4+$0x0], $0xffff;
	[tilespmem:s13+$0x0] =	vst v57  }
0x1ec: {  	v63 =	vld.idx.msk [tilespmem:v60+s4+$0x0], $0xffff;
	[tilespmem:s13+$0x80] =	vst v59  }
0x1ed: {  	v1 =	vld.idx.msk [tilespmem:v1+s4+$0x0], $0xffff;
	[tilespmem:s13+$0x100] =	vst v61  }
0x1ee: {  	s5 =	sadd.s32 $0x1, s5;
	[tilespmem:s13+$0xFFFFFF00] =	vst v3;
	v3 =	vld.idx.msk [tilespmem:v56+s4+$0x0], $0xffff  }
0x1ef: {  	p1 =	sne.s32 s5, $0x8;
	[tilespmem:s13+$0xFFFFFF80] =	vst v2;
	v2 =	vld.idx.msk [tilespmem:v58+s4+$0x0], $0xffff  }
.Ltmp16:
0x1f0: {  	[tilespmem:s13+$0x180] =	vst v62;
	(pc) =	sbr.rel @p1 .LBB2_34-.Ltmp16, $4  }
0x1f1: {  	[tilespmem:s13+$0x300] =	vst v63  }
0x1f2: {  	[tilespmem:s13+$0xFFFFFC00] =	vst v1  }
0x1f3: {  	[tilespmem:s13+$0x200] =	vst v3  }
0x1f4: {  	s3 =	sadd.s32 $0x10, s3;
	[tilespmem:s13+$0x280] =	vst v2  }
0x1f5: {  	s0 =	sor.u32 s10, s28  }
.Ltmp17:
0x1f6: {  	s0 =	sshll.u32 s0, $0xA;
	(pc) =	sbr.rel @p0 .LBB2_29-.Ltmp17, $4  }
0x1f7: {  	s0 =	sor.u32 s26, s0  }
0x1f8: {  	s0 =	sshrl.u32 s0, $0x3  }
0x1f9: {  	s28 =	simm.s32 $0x1;
	p1 =	por $0x0, $0x0;
	s0 =	sadd.s32 s2, s0  }
0x1fa: {  	[hbm4b:s0+s16] =	stream.strided.scatter [tilespmem:s19], [sflag:$0x5], $0x2000, s17, s16, $0x38;
	[tilespmem:$0x9500] =	vst v63  }
0x1fb: {  	s24 =	sadd.s32 $0x1, s24  }
0x1fc: {  	p0 =	sne.s32 s24, $0x8  }
.Ltmp18:
0x1fd: {  	_ = 	snop;
	(pc) =	sbr.rel @p0 .LBB2_28-.Ltmp18, $1  }
0x1fe: {  	_ =	sdelay $0x3  }
0x1ff: {  	_ =	swait.ge [sflag:s21], $0x2000  }
0x200: {  	[sflag:s21] =	ssyncset.done $0x0  }
0x201: {  	[sflag:s21] =	ssyncadd.s32 $0xFFFFE000  }
0x202: {  	_ =	swait.ge [sflag:s22], $0x2000  }
0x203: {  	s1 =	rddreg [dreg:$0x7]  }
0x204: {  	s0 =	rddreg [dreg:$0x6];
	s1 =	sadd.s32 $0x1, s1  }
0x205: {  	p0 =	sne.s32 s1, s0  }
.Ltmp19:
0x206: {  	_ = 	snop;
	(pc) =	sbr.rel @p0 .LBB2_1-.Ltmp19, $3  }
0x207: {  	_ =	sdelay $0x1  }
0x208: {  	[sflag:s22] =	ssyncset.done $0x0  }
0x209: {  	[sflag:s22] =	ssyncadd.s32 $0xFFFFE000  }
0x20a: {  	_ =	sfence.sel $0x180000  }
0x20b: {  	[bflag:$0x0] =	sbarrier.arrive $0xFFFF  }
0x20c: {  	_ =	strace $0x90000047  }
0x20d: {  	s0 =	stileid.u32;
	[bflag:$0x2] =	sbarrier.arrive $0xFFFF  }
0x20e: {  	p0 =	sne.s32 s0, $0x0;
	s0 =	rddreg [dreg:$0x3]  }
0x20f: {  	s0 =	sadd.s32 @!p0 $0x100000, s0  }
0x210: {  	[sflag:s0] =	ssyncadd.tile.s32 @!p0 $0x1;
	_ =	shalt  }
.Lfunc_end2:
_tile_overlayer_lowered:
.L_overlay_start_2:
0x211: {  	(tag) =	ssettag $0x2  }
0x212: {  	s0 =	rddreg [dreg:$0x0];
	s2 =	stileid.u32  }
0x213: {  	s1 =	rddreg [dreg:$0x1];
	p0 =	sne.s32 s2, $0x0  }
0x214: {  	s3 =	rddreg [dreg:$0x2];
	[bflag:$0x3] =	sbarrier.arrive $0xFFFF;
	s2 =	simm.s32 @!p0 $0x1C06  }
0x215: {  	[timem:s3], [sflag:s2] =	dma.local @!p0 [hbm:s0], s1  }
0x216: {  	s0 =	simm.s32 @!p0 $0x6  }
0x217: {  	_ =	swait.ge @!p0 [sflag:s0], s1  }
0x218: {  	s1 =	ssub.s32 @!p0 $0x0, s1;
	[sflag:s0] =	ssyncset.done @!p0 $0x0  }
0x219: {  	[sflag:s0] =	ssyncadd.s32 @!p0 s1  }
0x21a: {  	[bflag:$0x3] =	sbarrier.arrive $0xFFFF  }
0x21b: {  	_ =	shalt  }

</sc_bundles>
